<compile_context>
chip_gen: v7x
topology: tpu7x:2x2x1
jax: 0.10.2.dev20260603
libtpu: 0.0.44.dev20260713+nightly
codegen_flags: <defaults>
</compile_context>

<pallas_src>
import jax
import jax.numpy as jnp
from jax import lax
from jax.experimental import pallas as pl
from jax.experimental.pallas import tpu as pltpu
from jax.experimental.pallas import tpu_sc as plsc

_NUM_CORES = 2
_NUM_SUBCORES = 16
_NUM_WORKERS = _NUM_CORES * _NUM_SUBCORES

_BATCH = 4
_SEQ = 8192
_N_TOK = _BATCH * _SEQ
_DIM = 4
_VOCAB = 8
_LANES = 16
_TBLK = 128
_TOK_PER_W = _N_TOK // _NUM_WORKERS
_RUNS_PER_W = _TOK_PER_W // _TBLK
_GROUPS = _TOK_PER_W // _LANES
_RUN_OUT = _TBLK * _DIM


def _emb_body(ids_hbm, tab_hbm, out_hbm, tab2_v, tab_v, idx_v, out_v, sem_in, sem_out):
    wid = lax.axis_index("s") * _NUM_CORES + lax.axis_index("c")
    c_tab = pltpu.async_copy(tab_hbm, tab2_v, sem_in)
    c_ids = pltpu.async_copy(
        ids_hbm.at[pl.ds(wid * _TOK_PER_W, _TOK_PER_W)], idx_v, sem_in
    )
    c_tab.wait()
    c_ids.wait()
    lane = lax.iota(jnp.int32, _LANES)
    row = lane // _DIM
    colm = lane % _DIM
    for h in range(2):
        part = plsc.load_gather(tab2_v, [row + h * (_LANES // _DIM), colm])
        tab_v[pl.ds(h * _LANES, _LANES)] = part

    @plsc.parallel_loop(0, _GROUPS, 1, unroll=4)
    def _grp(g):
        j = g // (_TBLK // _LANES)
        sub = g % (_TBLK // _LANES)
        ids16 = idx_v[pl.ds(g * _LANES, _LANES)]
        col = ids16 * _DIM
        obase = j * _RUN_OUT + sub * _LANES
        for d in range(_DIM):
            vals = plsc.load_gather(tab_v, [col + d])
            out_v[pl.ds(obase + d * _TBLK, _LANES)] = vals

    copies = []
    for j in range(_RUNS_PER_W):
        c = wid * _RUNS_PER_W + j
        dst = (c % _BATCH) * (_SEQ * _DIM) + (c // _BATCH) * _RUN_OUT
        copies.append(
            pltpu.async_copy(
                out_v.at[pl.ds(j * _RUN_OUT, _RUN_OUT)],
                out_hbm.at[pl.ds(dst, _RUN_OUT)],
                sem_out,
            )
        )
    for cp in copies:
        cp.wait()


@jax.jit
def _emb(ids_lin, tab_flat):
    k = pl.kernel(
        _emb_body,
        out_type=jax.ShapeDtypeStruct((_N_TOK * _DIM,), jnp.float32),
        mesh=plsc.VectorSubcoreMesh(core_axis_name="c", subcore_axis_name="s"),
        scratch_types=[
            pltpu.VMEM((_VOCAB, _DIM), jnp.float32),
            pltpu.VMEM((_VOCAB * _DIM,), jnp.float32),
            pltpu.VMEM((_TOK_PER_W,), jnp.int32),
            pltpu.VMEM((_TOK_PER_W * _DIM,), jnp.float32),
            pltpu.SemaphoreType.DMA,
            pltpu.SemaphoreType.DMA,
        ],
        compiler_params=pltpu.CompilerParams(needs_layout_passes=False),
    )
    return k(ids_lin, tab_flat)


def kernel(input_ids, embed):
    ids_lin = (
        input_ids.astype(jnp.int32)
        .reshape(_BATCH, _SEQ // _TBLK, _TBLK)
        .transpose(1, 0, 2)
        .reshape(_N_TOK)
    )
    out_flat = _emb(ids_lin, embed.astype(jnp.float32))
    return (
        out_flat.reshape(_BATCH, _SEQ // _TBLK, _DIM, _TBLK)
        .transpose(0, 1, 3, 2)
        .reshape(_BATCH, _SEQ, _DIM)
    )

# --- scband reference (transcript-rebuilt; emitter-appended) ---
"""Pipeline reference for scband-non-eager-causal-55061480735492 (READ-ONLY COPY).

The authoritative reference and input builder live on the scoring server;
editing this copy changes nothing except your own understanding.
"""

import jax, jax.numpy as jnp
import numpy as np

def setup_inputs(seed: int = 0) -> dict:
    key = jax.random.key(seed)
    k1, k2 = jax.random.split(key)
    input_ids = jax.random.randint(k1, (4, 8192), 0, 8, dtype=jnp.int64 if jax.config.jax_enable_x64 else jnp.int32)
    embed = jax.random.normal(k2, (8, 4), dtype=jnp.float32)
    return {"input_ids": input_ids, "embed": embed}

def reference(input_ids, embed):
    # x = self.embed(input_ids)
    x = jnp.take(embed, input_ids, axis=0)
    # blocks are identity passthrough (attn=Identity, block.forward returns x)
    # norm = Identity
    return x

if __name__ == "__main__":
    import jax
    _d = setup_inputs()
    print(jax.jit(kernel)(*tuple(_d.values())))

</pallas_src>

<mosaic_0001>
#map = affine_map<(d0, d1) -> (0)>
#map1 = affine_map<(d0, d1) -> (0, 0)>
module attributes {stable_mosaic.version = 14 : i64} {
  func.func @_emb_body(%arg0: i32, %arg1: i32, %arg2: memref<32768xi32, #tpu.memory_space<hbm>>, %arg3: memref<8x4xf32, #tpu.memory_space<hbm>>, %arg4: memref<131072xf32, #tpu.memory_space<hbm>>, %arg5: memref<8x4xf32, #tpu.memory_space<vmem>>, %arg6: memref<32xf32, #tpu.memory_space<vmem>>, %arg7: memref<1024xi32, #tpu.memory_space<vmem>>, %arg8: memref<4096xf32, #tpu.memory_space<vmem>>, %arg9: memref<!tpu.dma_semaphore, #tpu.memory_space<semaphore_mem>>, %arg10: memref<!tpu.dma_semaphore, #tpu.memory_space<semaphore_mem>>) attributes {dimension_semantics = [#tpu.dimension_semantics<core_parallel>, #tpu.dimension_semantics<subcore_parallel>], iteration_bounds = array<i64: 2, 16>, scalar_prefetch = 0 : i64, scratch_operands = 6 : i64, tpu.core_type = #tpu.core_type<sc_vector_subcore>, window_params = [{transform_indices = #map}, {transform_indices = #map1}, {transform_indices = #map}]} {
    %mul3A = arith.constant 2 : i32
    %mul3A_0 = arith.muli %arg1, %mul3A : i32
    %add3A = arith.addi %mul3A_0, %arg0 : i32
    tpu.enqueue_dma source(%arg3 : memref<8x4xf32, #tpu.memory_space<hbm>>) target(%arg5 : memref<8x4xf32, #tpu.memory_space<vmem>>) target_semaphore(%arg9 : memref<!tpu.dma_semaphore, #tpu.memory_space<semaphore_mem>>)
    %mul3A_1 = arith.constant 1024 : i32
    %mul3A_2 = arith.muli %add3A, %mul3A_1 : i32
    %dma_start3A = tpu.memref_slice %arg2[%mul3A_2] : memref<32768xi32, #tpu.memory_space<hbm>> -> memref<1024xi32, #tpu.memory_space<hbm>>
    %dma_start3A_3 = tpu.memref_slice %arg2[%mul3A_2] : memref<32768xi32, #tpu.memory_space<hbm>> -> memref<1024xi32, #tpu.memory_space<hbm>>
    tpu.enqueue_dma source(%dma_start3A_3 : memref<1024xi32, #tpu.memory_space<hbm>>) target(%arg7 : memref<1024xi32, #tpu.memory_space<vmem>>) target_semaphore(%arg9 : memref<!tpu.dma_semaphore, #tpu.memory_space<semaphore_mem>>)
    tpu.wait_dma2 semaphore(%arg9 : memref<!tpu.dma_semaphore, #tpu.memory_space<semaphore_mem>>) src(%arg3 : memref<8x4xf32, #tpu.memory_space<hbm>>) dst(%arg5 : memref<8x4xf32, #tpu.memory_space<vmem>>)
    %dma_wait3A = tpu.memref_slice %arg2[%mul3A_2] : memref<32768xi32, #tpu.memory_space<hbm>> -> memref<1024xi32, #tpu.memory_space<hbm>>
    %dma_wait3A_4 = tpu.memref_slice %arg2[%mul3A_2] : memref<32768xi32, #tpu.memory_space<hbm>> -> memref<1024xi32, #tpu.memory_space<hbm>>
    tpu.wait_dma2 semaphore(%arg9 : memref<!tpu.dma_semaphore, #tpu.memory_space<semaphore_mem>>) src(%dma_wait3A_4 : memref<1024xi32, #tpu.memory_space<hbm>>) dst(%arg7 : memref<1024xi32, #tpu.memory_space<vmem>>)
    %iota3A = tpu.iota {dimensions = array<i32: 0>} : vector<16xi32>
    %jit3A = arith.constant 4 : i32
    %div3A = vector.broadcast %jit3A : i32 to vector<16xi32>
    %div3A_5 = arith.divsi %iota3A, %div3A : vector<16xi32>
    %sign3A = arith.constant 0 : i32
    %sign3A_6 = vector.broadcast %sign3A : i32 to vector<16xi32>
    %sign3A_7 = arith.cmpi sgt, %iota3A, %sign3A_6 : vector<16xi32>
    %sign3A_8 = arith.extui %sign3A_7 : vector<16xi1> to vector<16xi32>
    %sign3A_9 = arith.constant 0 : i32
    %sign3A_10 = vector.broadcast %sign3A_9 : i32 to vector<16xi32>
    %sign3A_11 = arith.cmpi slt, %iota3A, %sign3A_10 : vector<16xi32>
    %sign3A_12 = arith.extui %sign3A_11 : vector<16xi1> to vector<16xi32>
    %sign3A_13 = arith.subi %sign3A_8, %sign3A_12 : vector<16xi32>
    %sign3A_14 = arith.constant 0 : i32
    %sign3A_15 = arith.cmpi sgt, %jit3A, %sign3A_14 : i32
    %sign3A_16 = arith.extui %sign3A_15 : i1 to i32
    %sign3A_17 = arith.constant 0 : i32
    %sign3A_18 = arith.cmpi slt, %jit3A, %sign3A_17 : i32
    %sign3A_19 = arith.extui %sign3A_18 : i1 to i32
    %sign3A_20 = arith.subi %sign3A_16, %sign3A_19 : i32
    %ne3A = vector.broadcast %sign3A_20 : i32 to vector<16xi32>
    %ne3A_21 = arith.cmpi ne, %sign3A_13, %ne3A : vector<16xi32>
    %rem3A = vector.broadcast %jit3A : i32 to vector<16xi32>
    %rem3A_22 = arith.remsi %iota3A, %rem3A : vector<16xi32>
    %ne3A_23 = arith.constant 0 : i32
    %ne3A_24 = vector.broadcast %ne3A_23 : i32 to vector<16xi32>
    %ne3A_25 = arith.cmpi ne, %rem3A_22, %ne3A_24 : vector<16xi32>
    %and3A = arith.andi %ne3A_21, %ne3A_25 : vector<16xi1>
    %sub3A = arith.constant 1 : i32
    %sub3A_26 = vector.broadcast %sub3A : i32 to vector<16xi32>
    %sub3A_27 = arith.subi %div3A_5, %sub3A_26 : vector<16xi32>
    %select_n3A = arith.select %and3A, %sub3A_27, %div3A_5 : vector<16xi1>, vector<16xi32>
    %jit3A_28 = arith.constant 4 : i32
    %eq3A = arith.constant 0 : i32
    %eq3A_29 = arith.cmpi eq, %jit3A_28, %eq3A : i32
    %jit3A_30 = arith.constant 1 : i32
    %select_n3A_31 = arith.select %eq3A_29, %jit3A_30, %jit3A_28 : i32
    %rem3A_32 = vector.broadcast %select_n3A_31 : i32 to vector<16xi32>
    %rem3A_33 = arith.remsi %iota3A, %rem3A_32 : vector<16xi32>
    %ne3A_34 = arith.constant 0 : i32
    %ne3A_35 = vector.broadcast %ne3A_34 : i32 to vector<16xi32>
    %ne3A_36 = arith.cmpi ne, %rem3A_33, %ne3A_35 : vector<16xi32>
    %lt3A = arith.constant 0 : i32
    %lt3A_37 = vector.broadcast %lt3A : i32 to vector<16xi32>
    %lt3A_38 = arith.cmpi slt, %rem3A_33, %lt3A_37 : vector<16xi32>
    %lt3A_39 = arith.constant 0 : i32
    %lt3A_40 = arith.cmpi slt, %select_n3A_31, %lt3A_39 : i32
    %ne3A_41 = vector.broadcast %lt3A_40 : i1 to vector<16xi1>
    %ne3A_42 = vector.broadcast %ne3A_41 : vector<16xi1> to vector<16xi1>
    %ne3A_43 = arith.xori %lt3A_38, %ne3A_42 : vector<16xi1>
    %and3A_44 = arith.andi %ne3A_43, %ne3A_36 : vector<16xi1>
    %add3A_45 = vector.broadcast %select_n3A_31 : i32 to vector<16xi32>
    %add3A_46 = arith.addi %rem3A_33, %add3A_45 : vector<16xi32>
    %select_n3A_47 = arith.select %and3A_44, %add3A_46, %rem3A_33 : vector<16xi1>, vector<16xi32>
    %add3A_48 = arith.constant 0 : i32
    %add3A_49 = vector.broadcast %add3A_48 : i32 to vector<16xi32>
    %add3A_50 = arith.addi %select_n3A, %add3A_49 : vector<16xi32>
    %gather3A = tpu.vector_load_idx %arg5[%add3A_50, %select_n3A_47] : memref<8x4xf32, #tpu.memory_space<vmem>>[vector<16xi32>, vector<16xi32>], vector<16xf32>,
    %swap3A = arith.constant 0 : index
    %swap3A_51 = tpu.vector_load %arg6[%swap3A] {strides = array<i32>} : memref<32xf32, #tpu.memory_space<vmem>>, vector<16xf32>,
    tpu.vector_store %arg6[%swap3A], %gather3A {strides = array<i32>} : memref<32xf32, #tpu.memory_space<vmem>>, vector<16xf32>,
    %add3A_52 = arith.constant 4 : i32
    %add3A_53 = vector.broadcast %add3A_52 : i32 to vector<16xi32>
    %add3A_54 = arith.addi %select_n3A, %add3A_53 : vector<16xi32>
    %gather3A_55 = tpu.vector_load_idx %arg5[%add3A_54, %select_n3A_47] : memref<8x4xf32, #tpu.memory_space<vmem>>[vector<16xi32>, vector<16xi32>], vector<16xf32>,
    %swap3A_56 = arith.constant 16 : index
    %swap3A_57 = tpu.vector_load %arg6[%swap3A_56] {strides = array<i32>} : memref<32xf32, #tpu.memory_space<vmem>>, vector<16xf32>,
    tpu.vector_store %arg6[%swap3A_56], %gather3A_55 {strides = array<i32>} : memref<32xf32, #tpu.memory_space<vmem>>, vector<16xf32>,
    %parallel_loop3A = arith.constant 0 : i32
    %parallel_loop3A_58 = arith.constant 64 : i32
    %parallel_loop3A_59 = arith.constant 1 : i32
    scf.for %parallel_loop3A_548 = %parallel_loop3A to %parallel_loop3A_58 step %parallel_loop3A_59  : i32 {
      %parallel_loop3A_549 = arith.constant 8 : i32
      %parallel_loop3A_550 = arith.divsi %parallel_loop3A_548, %parallel_loop3A_549 : i32
      %parallel_loop3A_551 = arith.constant 0 : i32
      %parallel_loop3A_552 = arith.cmpi sgt, %parallel_loop3A_548, %parallel_loop3A_551 : i32
      %parallel_loop3A_553 = arith.extui %parallel_loop3A_552 : i1 to i32
      %parallel_loop3A_554 = arith.constant 0 : i32
      %parallel_loop3A_555 = arith.cmpi slt, %parallel_loop3A_548, %parallel_loop3A_554 : i32
      %parallel_loop3A_556 = arith.extui %parallel_loop3A_555 : i1 to i32
      %parallel_loop3A_557 = arith.subi %parallel_loop3A_553, %parallel_loop3A_556 : i32
      %parallel_loop3A_558 = arith.constant 0 : i32
      %parallel_loop3A_559 = arith.cmpi sgt, %parallel_loop3A_549, %parallel_loop3A_558 : i32
      %parallel_loop3A_560 = arith.extui %parallel_loop3A_559 : i1 to i32
      %parallel_loop3A_561 = arith.constant 0 : i32
      %parallel_loop3A_562 = arith.cmpi slt, %parallel_loop3A_549, %parallel_loop3A_561 : i32
      %parallel_loop3A_563 = arith.extui %parallel_loop3A_562 : i1 to i32
      %parallel_loop3A_564 = arith.subi %parallel_loop3A_560, %parallel_loop3A_563 : i32
      %parallel_loop3A_565 = arith.cmpi ne, %parallel_loop3A_557, %parallel_loop3A_564 : i32
      %parallel_loop3A_566 = arith.remsi %parallel_loop3A_548, %parallel_loop3A_549 : i32
      %parallel_loop3A_567 = arith.constant 0 : i32
      %parallel_loop3A_568 = arith.cmpi ne, %parallel_loop3A_566, %parallel_loop3A_567 : i32
      %parallel_loop3A_569 = arith.andi %parallel_loop3A_565, %parallel_loop3A_568 : i1
      %parallel_loop3A_570 = arith.constant 1 : i32
      %parallel_loop3A_571 = arith.subi %parallel_loop3A_550, %parallel_loop3A_570 : i32
      %parallel_loop3A_572 = arith.select %parallel_loop3A_569, %parallel_loop3A_571, %parallel_loop3A_550 : i32
      %parallel_loop3A_573 = arith.constant 8 : i32
      %parallel_loop3A_574 = arith.constant 0 : i32
      %parallel_loop3A_575 = arith.cmpi eq, %parallel_loop3A_573, %parallel_loop3A_574 : i32
      %parallel_loop3A_576 = arith.constant 1 : i32
      %parallel_loop3A_577 = arith.select %parallel_loop3A_575, %parallel_loop3A_576, %parallel_loop3A_573 : i32
      %parallel_loop3A_578 = arith.remsi %parallel_loop3A_548, %parallel_loop3A_577 : i32
      %parallel_loop3A_579 = arith.constant 0 : i32
      %parallel_loop3A_580 = arith.cmpi ne, %parallel_loop3A_578, %parallel_loop3A_579 : i32
      %parallel_loop3A_581 = arith.constant 0 : i32
      %parallel_loop3A_582 = arith.cmpi slt, %parallel_loop3A_578, %parallel_loop3A_581 : i32
      %parallel_loop3A_583 = arith.constant 0 : i32
      %parallel_loop3A_584 = arith.cmpi slt, %parallel_loop3A_577, %parallel_loop3A_583 : i32
      %parallel_loop3A_585 = arith.xori %parallel_loop3A_582, %parallel_loop3A_584 : i1
      %parallel_loop3A_586 = arith.andi %parallel_loop3A_585, %parallel_loop3A_580 : i1
      %parallel_loop3A_587 = arith.addi %parallel_loop3A_578, %parallel_loop3A_577 : i32
      %parallel_loop3A_588 = arith.select %parallel_loop3A_586, %parallel_loop3A_587, %parallel_loop3A_578 : i32
      %parallel_loop3A_589 = arith.constant 16 : i32
      %parallel_loop3A_590 = arith.muli %parallel_loop3A_548, %parallel_loop3A_589 : i32
      %parallel_loop3A_591 = arith.index_cast %parallel_loop3A_590 : i32 to index
      %parallel_loop3A_592 = tpu.vector_load %arg7[%parallel_loop3A_591] {strides = array<i32>} : memref<1024xi32, #tpu.memory_space<vmem>>, vector<16xi32>,
      %parallel_loop3A_593 = arith.constant 4 : i32
      %parallel_loop3A_594 = vector.broadcast %parallel_loop3A_593 : i32 to vector<16xi32>
      %parallel_loop3A_595 = arith.muli %parallel_loop3A_592, %parallel_loop3A_594 : vector<16xi32>
      %parallel_loop3A_596 = arith.constant 512 : i32
      %parallel_loop3A_597 = arith.muli %parallel_loop3A_572, %parallel_loop3A_596 : i32
      %parallel_loop3A_598 = arith.constant 16 : i32
      %parallel_loop3A_599 = arith.muli %parallel_loop3A_588, %parallel_loop3A_598 : i32
      %parallel_loop3A_600 = arith.addi %parallel_loop3A_597, %parallel_loop3A_599 : i32
      %parallel_loop3A_601 = arith.constant 0 : i32
      %parallel_loop3A_602 = vector.broadcast %parallel_loop3A_601 : i32 to vector<16xi32>
      %parallel_loop3A_603 = arith.addi %parallel_loop3A_595, %parallel_loop3A_602 : vector<16xi32>
      %parallel_loop3A_604 = tpu.vector_load_idx %arg6[%parallel_loop3A_603] : memref<32xf32, #tpu.memory_space<vmem>>[vector<16xi32>], vector<16xf32>,
      %parallel_loop3A_605 = arith.constant 0 : i32
      %parallel_loop3A_606 = arith.addi %parallel_loop3A_600, %parallel_loop3A_605 : i32
      %parallel_loop3A_607 = arith.index_cast %parallel_loop3A_606 : i32 to index
      %parallel_loop3A_608 = tpu.vector_load %arg8[%parallel_loop3A_607] {strides = array<i32>} : memref<4096xf32, #tpu.memory_space<vmem>>, vector<16xf32>,
      tpu.vector_store %arg8[%parallel_loop3A_607], %parallel_loop3A_604 {strides = array<i32>} : memref<4096xf32, #tpu.memory_space<vmem>>, vector<16xf32>,
      %parallel_loop3A_609 = arith.constant 1 : i32
      %parallel_loop3A_610 = vector.broadcast %parallel_loop3A_609 : i32 to vector<16xi32>
      %parallel_loop3A_611 = arith.addi %parallel_loop3A_595, %parallel_loop3A_610 : vector<16xi32>
      %parallel_loop3A_612 = tpu.vector_load_idx %arg6[%parallel_loop3A_611] : memref<32xf32, #tpu.memory_space<vmem>>[vector<16xi32>], vector<16xf32>,
      %parallel_loop3A_613 = arith.constant 128 : i32
      %parallel_loop3A_614 = arith.addi %parallel_loop3A_600, %parallel_loop3A_613 : i32
      %parallel_loop3A_615 = arith.index_cast %parallel_loop3A_614 : i32 to index
      %parallel_loop3A_616 = tpu.vector_load %arg8[%parallel_loop3A_615] {strides = array<i32>} : memref<4096xf32, #tpu.memory_space<vmem>>, vector<16xf32>,
      tpu.vector_store %arg8[%parallel_loop3A_615], %parallel_loop3A_612 {strides = array<i32>} : memref<4096xf32, #tpu.memory_space<vmem>>, vector<16xf32>,
      %parallel_loop3A_617 = arith.constant 2 : i32
      %parallel_loop3A_618 = vector.broadcast %parallel_loop3A_617 : i32 to vector<16xi32>
      %parallel_loop3A_619 = arith.addi %parallel_loop3A_595, %parallel_loop3A_618 : vector<16xi32>
      %parallel_loop3A_620 = tpu.vector_load_idx %arg6[%parallel_loop3A_619] : memref<32xf32, #tpu.memory_space<vmem>>[vector<16xi32>], vector<16xf32>,
      %parallel_loop3A_621 = arith.constant 256 : i32
      %parallel_loop3A_622 = arith.addi %parallel_loop3A_600, %parallel_loop3A_621 : i32
      %parallel_loop3A_623 = arith.index_cast %parallel_loop3A_622 : i32 to index
      %parallel_loop3A_624 = tpu.vector_load %arg8[%parallel_loop3A_623] {strides = array<i32>} : memref<4096xf32, #tpu.memory_space<vmem>>, vector<16xf32>,
      tpu.vector_store %arg8[%parallel_loop3A_623], %parallel_loop3A_620 {strides = array<i32>} : memref<4096xf32, #tpu.memory_space<vmem>>, vector<16xf32>,
      %parallel_loop3A_625 = arith.constant 3 : i32
      %parallel_loop3A_626 = vector.broadcast %parallel_loop3A_625 : i32 to vector<16xi32>
      %parallel_loop3A_627 = arith.addi %parallel_loop3A_595, %parallel_loop3A_626 : vector<16xi32>
      %parallel_loop3A_628 = tpu.vector_load_idx %arg6[%parallel_loop3A_627] : memref<32xf32, #tpu.memory_space<vmem>>[vector<16xi32>], vector<16xf32>,
      %parallel_loop3A_629 = arith.constant 384 : i32
      %parallel_loop3A_630 = arith.addi %parallel_loop3A_600, %parallel_loop3A_629 : i32
      %parallel_loop3A_631 = arith.index_cast %parallel_loop3A_630 : i32 to index
      %parallel_loop3A_632 = tpu.vector_load %arg8[%parallel_loop3A_631] {strides = array<i32>} : memref<4096xf32, #tpu.memory_space<vmem>>, vector<16xf32>,
      tpu.vector_store %arg8[%parallel_loop3A_631], %parallel_loop3A_628 {strides = array<i32>} : memref<4096xf32, #tpu.memory_space<vmem>>, vector<16xf32>,
    } {sc.loop_unroll_factor = 4 : i64, sc.parallel_access}
    %mul3A_60 = arith.constant 8 : i32
    %mul3A_61 = arith.muli %add3A, %mul3A_60 : i32
    %add3A_62 = arith.constant 0 : i32
    %add3A_63 = arith.addi %mul3A_61, %add3A_62 : i32
    %jit3A_64 = arith.constant 4 : i32
    %eq3A_65 = arith.constant 0 : i32
    %eq3A_66 = arith.cmpi eq, %jit3A_64, %eq3A_65 : i32
    %jit3A_67 = arith.constant 1 : i32
    %select_n3A_68 = arith.select %eq3A_66, %jit3A_67, %jit3A_64 : i32
    %rem3A_69 = arith.remsi %add3A_63, %select_n3A_68 : i32
    %ne3A_70 = arith.constant 0 : i32
    %ne3A_71 = arith.cmpi ne, %rem3A_69, %ne3A_70 : i32
    %lt3A_72 = arith.constant 0 : i32
    %lt3A_73 = arith.cmpi slt, %rem3A_69, %lt3A_72 : i32
    %lt3A_74 = arith.constant 0 : i32
    %lt3A_75 = arith.cmpi slt, %select_n3A_68, %lt3A_74 : i32
    %ne3A_76 = arith.xori %lt3A_73, %lt3A_75 : i1
    %and3A_77 = arith.andi %ne3A_76, %ne3A_71 : i1
    %add3A_78 = arith.addi %rem3A_69, %select_n3A_68 : i32
    %select_n3A_79 = arith.select %and3A_77, %add3A_78, %rem3A_69 : i32
    %mul3A_80 = arith.constant 32768 : i32
    %mul3A_81 = arith.muli %select_n3A_79, %mul3A_80 : i32
    %jit3A_82 = arith.constant 4 : i32
    %div3A_83 = arith.divsi %add3A_63, %jit3A_82 : i32
    %sign3A_84 = arith.constant 0 : i32
    %sign3A_85 = arith.cmpi sgt, %add3A_63, %sign3A_84 : i32
    %sign3A_86 = arith.extui %sign3A_85 : i1 to i32
    %sign3A_87 = arith.constant 0 : i32
    %sign3A_88 = arith.cmpi slt, %add3A_63, %sign3A_87 : i32
    %sign3A_89 = arith.extui %sign3A_88 : i1 to i32
    %sign3A_90 = arith.subi %sign3A_86, %sign3A_89 : i32
    %sign3A_91 = arith.constant 0 : i32
    %sign3A_92 = arith.cmpi sgt, %jit3A_82, %sign3A_91 : i32
    %sign3A_93 = arith.extui %sign3A_92 : i1 to i32
    %sign3A_94 = arith.constant 0 : i32
    %sign3A_95 = arith.cmpi slt, %jit3A_82, %sign3A_94 : i32
    %sign3A_96 = arith.extui %sign3A_95 : i1 to i32
    %sign3A_97 = arith.subi %sign3A_93, %sign3A_96 : i32
    %ne3A_98 = arith.cmpi ne, %sign3A_90, %sign3A_97 : i32
    %rem3A_99 = arith.remsi %add3A_63, %jit3A_82 : i32
    %ne3A_100 = arith.constant 0 : i32
    %ne3A_101 = arith.cmpi ne, %rem3A_99, %ne3A_100 : i32
    %and3A_102 = arith.andi %ne3A_98, %ne3A_101 : i1
    %sub3A_103 = arith.constant 1 : i32
    %sub3A_104 = arith.subi %div3A_83, %sub3A_103 : i32
    %select_n3A_105 = arith.select %and3A_102, %sub3A_104, %div3A_83 : i32
    %mul3A_106 = arith.constant 512 : i32
    %mul3A_107 = arith.muli %select_n3A_105, %mul3A_106 : i32
    %add3A_108 = arith.addi %mul3A_81, %mul3A_107 : i32
    %dma_start3A_109 = arith.constant 0 : i32
    %dma_start3A_110 = tpu.memref_slice %arg8[%dma_start3A_109] : memref<4096xf32, #tpu.memory_space<vmem>> -> memref<512xf32, #tpu.memory_space<vmem>>
    %dma_start3A_111 = tpu.memref_slice %arg4[%add3A_108] : memref<131072xf32, #tpu.memory_space<hbm>> -> memref<512xf32, #tpu.memory_space<hbm>>
    %dma_start3A_112 = tpu.memref_slice %arg4[%add3A_108] : memref<131072xf32, #tpu.memory_space<hbm>> -> memref<512xf32, #tpu.memory_space<hbm>>
    %dma_start3A_113 = arith.constant 0 : i32
    %dma_start3A_114 = tpu.memref_slice %arg8[%dma_start3A_113] : memref<4096xf32, #tpu.memory_space<vmem>> -> memref<512xf32, #tpu.memory_space<vmem>>
    tpu.enqueue_dma source(%dma_start3A_114 : memref<512xf32, #tpu.memory_space<vmem>>) target(%dma_start3A_112 : memref<512xf32, #tpu.memory_space<hbm>>) target_semaphore(%arg10 : memref<!tpu.dma_semaphore, #tpu.memory_space<semaphore_mem>>)
    %mul3A_115 = arith.constant 8 : i32
    %mul3A_116 = arith.muli %add3A, %mul3A_115 : i32
    %add3A_117 = arith.constant 1 : i32
    %add3A_118 = arith.addi %mul3A_116, %add3A_117 : i32
    %jit3A_119 = arith.constant 4 : i32
    %eq3A_120 = arith.constant 0 : i32
    %eq3A_121 = arith.cmpi eq, %jit3A_119, %eq3A_120 : i32
    %jit3A_122 = arith.constant 1 : i32
    %select_n3A_123 = arith.select %eq3A_121, %jit3A_122, %jit3A_119 : i32
    %rem3A_124 = arith.remsi %add3A_118, %select_n3A_123 : i32
    %ne3A_125 = arith.constant 0 : i32
    %ne3A_126 = arith.cmpi ne, %rem3A_124, %ne3A_125 : i32
    %lt3A_127 = arith.constant 0 : i32
    %lt3A_128 = arith.cmpi slt, %rem3A_124, %lt3A_127 : i32
    %lt3A_129 = arith.constant 0 : i32
    %lt3A_130 = arith.cmpi slt, %select_n3A_123, %lt3A_129 : i32
    %ne3A_131 = arith.xori %lt3A_128, %lt3A_130 : i1
    %and3A_132 = arith.andi %ne3A_131, %ne3A_126 : i1
    %add3A_133 = arith.addi %rem3A_124, %select_n3A_123 : i32
    %select_n3A_134 = arith.select %and3A_132, %add3A_133, %rem3A_124 : i32
    %mul3A_135 = arith.constant 32768 : i32
    %mul3A_136 = arith.muli %select_n3A_134, %mul3A_135 : i32
    %jit3A_137 = arith.constant 4 : i32
    %div3A_138 = arith.divsi %add3A_118, %jit3A_137 : i32
    %sign3A_139 = arith.constant 0 : i32
    %sign3A_140 = arith.cmpi sgt, %add3A_118, %sign3A_139 : i32
    %sign3A_141 = arith.extui %sign3A_140 : i1 to i32
    %sign3A_142 = arith.constant 0 : i32
    %sign3A_143 = arith.cmpi slt, %add3A_118, %sign3A_142 : i32
    %sign3A_144 = arith.extui %sign3A_143 : i1 to i32
    %sign3A_145 = arith.subi %sign3A_141, %sign3A_144 : i32
    %sign3A_146 = arith.constant 0 : i32
    %sign3A_147 = arith.cmpi sgt, %jit3A_137, %sign3A_146 : i32
    %sign3A_148 = arith.extui %sign3A_147 : i1 to i32
    %sign3A_149 = arith.constant 0 : i32
    %sign3A_150 = arith.cmpi slt, %jit3A_137, %sign3A_149 : i32
    %sign3A_151 = arith.extui %sign3A_150 : i1 to i32
    %sign3A_152 = arith.subi %sign3A_148, %sign3A_151 : i32
    %ne3A_153 = arith.cmpi ne, %sign3A_145, %sign3A_152 : i32
    %rem3A_154 = arith.remsi %add3A_118, %jit3A_137 : i32
    %ne3A_155 = arith.constant 0 : i32
    %ne3A_156 = arith.cmpi ne, %rem3A_154, %ne3A_155 : i32
    %and3A_157 = arith.andi %ne3A_153, %ne3A_156 : i1
    %sub3A_158 = arith.constant 1 : i32
    %sub3A_159 = arith.subi %div3A_138, %sub3A_158 : i32
    %select_n3A_160 = arith.select %and3A_157, %sub3A_159, %div3A_138 : i32
    %mul3A_161 = arith.constant 512 : i32
    %mul3A_162 = arith.muli %select_n3A_160, %mul3A_161 : i32
    %add3A_163 = arith.addi %mul3A_136, %mul3A_162 : i32
    %dma_start3A_164 = arith.constant 512 : i32
    %dma_start3A_165 = tpu.memref_slice %arg8[%dma_start3A_164] : memref<4096xf32, #tpu.memory_space<vmem>> -> memref<512xf32, #tpu.memory_space<vmem>>
    %dma_start3A_166 = tpu.memref_slice %arg4[%add3A_163] : memref<131072xf32, #tpu.memory_space<hbm>> -> memref<512xf32, #tpu.memory_space<hbm>>
    %dma_start3A_167 = tpu.memref_slice %arg4[%add3A_163] : memref<131072xf32, #tpu.memory_space<hbm>> -> memref<512xf32, #tpu.memory_space<hbm>>
    %dma_start3A_168 = arith.constant 512 : i32
    %dma_start3A_169 = tpu.memref_slice %arg8[%dma_start3A_168] : memref<4096xf32, #tpu.memory_space<vmem>> -> memref<512xf32, #tpu.memory_space<vmem>>
    tpu.enqueue_dma source(%dma_start3A_169 : memref<512xf32, #tpu.memory_space<vmem>>) target(%dma_start3A_167 : memref<512xf32, #tpu.memory_space<hbm>>) target_semaphore(%arg10 : memref<!tpu.dma_semaphore, #tpu.memory_space<semaphore_mem>>)
    %mul3A_170 = arith.constant 8 : i32
    %mul3A_171 = arith.muli %add3A, %mul3A_170 : i32
    %add3A_172 = arith.constant 2 : i32
    %add3A_173 = arith.addi %mul3A_171, %add3A_172 : i32
    %jit3A_174 = arith.constant 4 : i32
    %eq3A_175 = arith.constant 0 : i32
    %eq3A_176 = arith.cmpi eq, %jit3A_174, %eq3A_175 : i32
    %jit3A_177 = arith.constant 1 : i32
    %select_n3A_178 = arith.select %eq3A_176, %jit3A_177, %jit3A_174 : i32
    %rem3A_179 = arith.remsi %add3A_173, %select_n3A_178 : i32
    %ne3A_180 = arith.constant 0 : i32
    %ne3A_181 = arith.cmpi ne, %rem3A_179, %ne3A_180 : i32
    %lt3A_182 = arith.constant 0 : i32
    %lt3A_183 = arith.cmpi slt, %rem3A_179, %lt3A_182 : i32
    %lt3A_184 = arith.constant 0 : i32
    %lt3A_185 = arith.cmpi slt, %select_n3A_178, %lt3A_184 : i32
    %ne3A_186 = arith.xori %lt3A_183, %lt3A_185 : i1
    %and3A_187 = arith.andi %ne3A_186, %ne3A_181 : i1
    %add3A_188 = arith.addi %rem3A_179, %select_n3A_178 : i32
    %select_n3A_189 = arith.select %and3A_187, %add3A_188, %rem3A_179 : i32
    %mul3A_190 = arith.constant 32768 : i32
    %mul3A_191 = arith.muli %select_n3A_189, %mul3A_190 : i32
    %jit3A_192 = arith.constant 4 : i32
    %div3A_193 = arith.divsi %add3A_173, %jit3A_192 : i32
    %sign3A_194 = arith.constant 0 : i32
    %sign3A_195 = arith.cmpi sgt, %add3A_173, %sign3A_194 : i32
    %sign3A_196 = arith.extui %sign3A_195 : i1 to i32
    %sign3A_197 = arith.constant 0 : i32
    %sign3A_198 = arith.cmpi slt, %add3A_173, %sign3A_197 : i32
    %sign3A_199 = arith.extui %sign3A_198 : i1 to i32
    %sign3A_200 = arith.subi %sign3A_196, %sign3A_199 : i32
    %sign3A_201 = arith.constant 0 : i32
    %sign3A_202 = arith.cmpi sgt, %jit3A_192, %sign3A_201 : i32
    %sign3A_203 = arith.extui %sign3A_202 : i1 to i32
    %sign3A_204 = arith.constant 0 : i32
    %sign3A_205 = arith.cmpi slt, %jit3A_192, %sign3A_204 : i32
    %sign3A_206 = arith.extui %sign3A_205 : i1 to i32
    %sign3A_207 = arith.subi %sign3A_203, %sign3A_206 : i32
    %ne3A_208 = arith.cmpi ne, %sign3A_200, %sign3A_207 : i32
    %rem3A_209 = arith.remsi %add3A_173, %jit3A_192 : i32
    %ne3A_210 = arith.constant 0 : i32
    %ne3A_211 = arith.cmpi ne, %rem3A_209, %ne3A_210 : i32
    %and3A_212 = arith.andi %ne3A_208, %ne3A_211 : i1
    %sub3A_213 = arith.constant 1 : i32
    %sub3A_214 = arith.subi %div3A_193, %sub3A_213 : i32
    %select_n3A_215 = arith.select %and3A_212, %sub3A_214, %div3A_193 : i32
    %mul3A_216 = arith.constant 512 : i32
    %mul3A_217 = arith.muli %select_n3A_215, %mul3A_216 : i32
    %add3A_218 = arith.addi %mul3A_191, %mul3A_217 : i32
    %dma_start3A_219 = arith.constant 1024 : i32
    %dma_start3A_220 = tpu.memref_slice %arg8[%dma_start3A_219] : memref<4096xf32, #tpu.memory_space<vmem>> -> memref<512xf32, #tpu.memory_space<vmem>>
    %dma_start3A_221 = tpu.memref_slice %arg4[%add3A_218] : memref<131072xf32, #tpu.memory_space<hbm>> -> memref<512xf32, #tpu.memory_space<hbm>>
    %dma_start3A_222 = tpu.memref_slice %arg4[%add3A_218] : memref<131072xf32, #tpu.memory_space<hbm>> -> memref<512xf32, #tpu.memory_space<hbm>>
    %dma_start3A_223 = arith.constant 1024 : i32
    %dma_start3A_224 = tpu.memref_slice %arg8[%dma_start3A_223] : memref<4096xf32, #tpu.memory_space<vmem>> -> memref<512xf32, #tpu.memory_space<vmem>>
    tpu.enqueue_dma source(%dma_start3A_224 : memref<512xf32, #tpu.memory_space<vmem>>) target(%dma_start3A_222 : memref<512xf32, #tpu.memory_space<hbm>>) target_semaphore(%arg10 : memref<!tpu.dma_semaphore, #tpu.memory_space<semaphore_mem>>)
    %mul3A_225 = arith.constant 8 : i32
    %mul3A_226 = arith.muli %add3A, %mul3A_225 : i32
    %add3A_227 = arith.constant 3 : i32
    %add3A_228 = arith.addi %mul3A_226, %add3A_227 : i32
    %jit3A_229 = arith.constant 4 : i32
    %eq3A_230 = arith.constant 0 : i32
    %eq3A_231 = arith.cmpi eq, %jit3A_229, %eq3A_230 : i32
    %jit3A_232 = arith.constant 1 : i32
    %select_n3A_233 = arith.select %eq3A_231, %jit3A_232, %jit3A_229 : i32
    %rem3A_234 = arith.remsi %add3A_228, %select_n3A_233 : i32
    %ne3A_235 = arith.constant 0 : i32
    %ne3A_236 = arith.cmpi ne, %rem3A_234, %ne3A_235 : i32
    %lt3A_237 = arith.constant 0 : i32
    %lt3A_238 = arith.cmpi slt, %rem3A_234, %lt3A_237 : i32
    %lt3A_239 = arith.constant 0 : i32
    %lt3A_240 = arith.cmpi slt, %select_n3A_233, %lt3A_239 : i32
    %ne3A_241 = arith.xori %lt3A_238, %lt3A_240 : i1
    %and3A_242 = arith.andi %ne3A_241, %ne3A_236 : i1
    %add3A_243 = arith.addi %rem3A_234, %select_n3A_233 : i32
    %select_n3A_244 = arith.select %and3A_242, %add3A_243, %rem3A_234 : i32
    %mul3A_245 = arith.constant 32768 : i32
    %mul3A_246 = arith.muli %select_n3A_244, %mul3A_245 : i32
    %jit3A_247 = arith.constant 4 : i32
    %div3A_248 = arith.divsi %add3A_228, %jit3A_247 : i32
    %sign3A_249 = arith.constant 0 : i32
    %sign3A_250 = arith.cmpi sgt, %add3A_228, %sign3A_249 : i32
    %sign3A_251 = arith.extui %sign3A_250 : i1 to i32
    %sign3A_252 = arith.constant 0 : i32
    %sign3A_253 = arith.cmpi slt, %add3A_228, %sign3A_252 : i32
    %sign3A_254 = arith.extui %sign3A_253 : i1 to i32
    %sign3A_255 = arith.subi %sign3A_251, %sign3A_254 : i32
    %sign3A_256 = arith.constant 0 : i32
    %sign3A_257 = arith.cmpi sgt, %jit3A_247, %sign3A_256 : i32
    %sign3A_258 = arith.extui %sign3A_257 : i1 to i32
    %sign3A_259 = arith.constant 0 : i32
    %sign3A_260 = arith.cmpi slt, %jit3A_247, %sign3A_259 : i32
    %sign3A_261 = arith.extui %sign3A_260 : i1 to i32
    %sign3A_262 = arith.subi %sign3A_258, %sign3A_261 : i32
    %ne3A_263 = arith.cmpi ne, %sign3A_255, %sign3A_262 : i32
    %rem3A_264 = arith.remsi %add3A_228, %jit3A_247 : i32
    %ne3A_265 = arith.constant 0 : i32
    %ne3A_266 = arith.cmpi ne, %rem3A_264, %ne3A_265 : i32
    %and3A_267 = arith.andi %ne3A_263, %ne3A_266 : i1
    %sub3A_268 = arith.constant 1 : i32
    %sub3A_269 = arith.subi %div3A_248, %sub3A_268 : i32
    %select_n3A_270 = arith.select %and3A_267, %sub3A_269, %div3A_248 : i32
    %mul3A_271 = arith.constant 512 : i32
    %mul3A_272 = arith.muli %select_n3A_270, %mul3A_271 : i32
    %add3A_273 = arith.addi %mul3A_246, %mul3A_272 : i32
    %dma_start3A_274 = arith.constant 1536 : i32
    %dma_start3A_275 = tpu.memref_slice %arg8[%dma_start3A_274] : memref<4096xf32, #tpu.memory_space<vmem>> -> memref<512xf32, #tpu.memory_space<vmem>>
    %dma_start3A_276 = tpu.memref_slice %arg4[%add3A_273] : memref<131072xf32, #tpu.memory_space<hbm>> -> memref<512xf32, #tpu.memory_space<hbm>>
    %dma_start3A_277 = tpu.memref_slice %arg4[%add3A_273] : memref<131072xf32, #tpu.memory_space<hbm>> -> memref<512xf32, #tpu.memory_space<hbm>>
    %dma_start3A_278 = arith.constant 1536 : i32
    %dma_start3A_279 = tpu.memref_slice %arg8[%dma_start3A_278] : memref<4096xf32, #tpu.memory_space<vmem>> -> memref<512xf32, #tpu.memory_space<vmem>>
    tpu.enqueue_dma source(%dma_start3A_279 : memref<512xf32, #tpu.memory_space<vmem>>) target(%dma_start3A_277 : memref<512xf32, #tpu.memory_space<hbm>>) target_semaphore(%arg10 : memref<!tpu.dma_semaphore, #tpu.memory_space<semaphore_mem>>)
    %mul3A_280 = arith.constant 8 : i32
    %mul3A_281 = arith.muli %add3A, %mul3A_280 : i32
    %add3A_282 = arith.constant 4 : i32
    %add3A_283 = arith.addi %mul3A_281, %add3A_282 : i32
    %jit3A_284 = arith.constant 4 : i32
    %eq3A_285 = arith.constant 0 : i32
    %eq3A_286 = arith.cmpi eq, %jit3A_284, %eq3A_285 : i32
    %jit3A_287 = arith.constant 1 : i32
    %select_n3A_288 = arith.select %eq3A_286, %jit3A_287, %jit3A_284 : i32
    %rem3A_289 = arith.remsi %add3A_283, %select_n3A_288 : i32
    %ne3A_290 = arith.constant 0 : i32
    %ne3A_291 = arith.cmpi ne, %rem3A_289, %ne3A_290 : i32
    %lt3A_292 = arith.constant 0 : i32
    %lt3A_293 = arith.cmpi slt, %rem3A_289, %lt3A_292 : i32
    %lt3A_294 = arith.constant 0 : i32
    %lt3A_295 = arith.cmpi slt, %select_n3A_288, %lt3A_294 : i32
    %ne3A_296 = arith.xori %lt3A_293, %lt3A_295 : i1
    %and3A_297 = arith.andi %ne3A_296, %ne3A_291 : i1
    %add3A_298 = arith.addi %rem3A_289, %select_n3A_288 : i32
    %select_n3A_299 = arith.select %and3A_297, %add3A_298, %rem3A_289 : i32
    %mul3A_300 = arith.constant 32768 : i32
    %mul3A_301 = arith.muli %select_n3A_299, %mul3A_300 : i32
    %jit3A_302 = arith.constant 4 : i32
    %div3A_303 = arith.divsi %add3A_283, %jit3A_302 : i32
    %sign3A_304 = arith.constant 0 : i32
    %sign3A_305 = arith.cmpi sgt, %add3A_283, %sign3A_304 : i32
    %sign3A_306 = arith.extui %sign3A_305 : i1 to i32
    %sign3A_307 = arith.constant 0 : i32
    %sign3A_308 = arith.cmpi slt, %add3A_283, %sign3A_307 : i32
    %sign3A_309 = arith.extui %sign3A_308 : i1 to i32
    %sign3A_310 = arith.subi %sign3A_306, %sign3A_309 : i32
    %sign3A_311 = arith.constant 0 : i32
    %sign3A_312 = arith.cmpi sgt, %jit3A_302, %sign3A_311 : i32
    %sign3A_313 = arith.extui %sign3A_312 : i1 to i32
    %sign3A_314 = arith.constant 0 : i32
    %sign3A_315 = arith.cmpi slt, %jit3A_302, %sign3A_314 : i32
    %sign3A_316 = arith.extui %sign3A_315 : i1 to i32
    %sign3A_317 = arith.subi %sign3A_313, %sign3A_316 : i32
    %ne3A_318 = arith.cmpi ne, %sign3A_310, %sign3A_317 : i32
    %rem3A_319 = arith.remsi %add3A_283, %jit3A_302 : i32
    %ne3A_320 = arith.constant 0 : i32
    %ne3A_321 = arith.cmpi ne, %rem3A_319, %ne3A_320 : i32
    %and3A_322 = arith.andi %ne3A_318, %ne3A_321 : i1
    %sub3A_323 = arith.constant 1 : i32
    %sub3A_324 = arith.subi %div3A_303, %sub3A_323 : i32
    %select_n3A_325 = arith.select %and3A_322, %sub3A_324, %div3A_303 : i32
    %mul3A_326 = arith.constant 512 : i32
    %mul3A_327 = arith.muli %select_n3A_325, %mul3A_326 : i32
    %add3A_328 = arith.addi %mul3A_301, %mul3A_327 : i32
    %dma_start3A_329 = arith.constant 2048 : i32
    %dma_start3A_330 = tpu.memref_slice %arg8[%dma_start3A_329] : memref<4096xf32, #tpu.memory_space<vmem>> -> memref<512xf32, #tpu.memory_space<vmem>>
    %dma_start3A_331 = tpu.memref_slice %arg4[%add3A_328] : memref<131072xf32, #tpu.memory_space<hbm>> -> memref<512xf32, #tpu.memory_space<hbm>>
    %dma_start3A_332 = tpu.memref_slice %arg4[%add3A_328] : memref<131072xf32, #tpu.memory_space<hbm>> -> memref<512xf32, #tpu.memory_space<hbm>>
    %dma_start3A_333 = arith.constant 2048 : i32
    %dma_start3A_334 = tpu.memref_slice %arg8[%dma_start3A_333] : memref<4096xf32, #tpu.memory_space<vmem>> -> memref<512xf32, #tpu.memory_space<vmem>>
    tpu.enqueue_dma source(%dma_start3A_334 : memref<512xf32, #tpu.memory_space<vmem>>) target(%dma_start3A_332 : memref<512xf32, #tpu.memory_space<hbm>>) target_semaphore(%arg10 : memref<!tpu.dma_semaphore, #tpu.memory_space<semaphore_mem>>)
    %mul3A_335 = arith.constant 8 : i32
    %mul3A_336 = arith.muli %add3A, %mul3A_335 : i32
    %add3A_337 = arith.constant 5 : i32
    %add3A_338 = arith.addi %mul3A_336, %add3A_337 : i32
    %jit3A_339 = arith.constant 4 : i32
    %eq3A_340 = arith.constant 0 : i32
    %eq3A_341 = arith.cmpi eq, %jit3A_339, %eq3A_340 : i32
    %jit3A_342 = arith.constant 1 : i32
    %select_n3A_343 = arith.select %eq3A_341, %jit3A_342, %jit3A_339 : i32
    %rem3A_344 = arith.remsi %add3A_338, %select_n3A_343 : i32
    %ne3A_345 = arith.constant 0 : i32
    %ne3A_346 = arith.cmpi ne, %rem3A_344, %ne3A_345 : i32
    %lt3A_347 = arith.constant 0 : i32
    %lt3A_348 = arith.cmpi slt, %rem3A_344, %lt3A_347 : i32
    %lt3A_349 = arith.constant 0 : i32
    %lt3A_350 = arith.cmpi slt, %select_n3A_343, %lt3A_349 : i32
    %ne3A_351 = arith.xori %lt3A_348, %lt3A_350 : i1
    %and3A_352 = arith.andi %ne3A_351, %ne3A_346 : i1
    %add3A_353 = arith.addi %rem3A_344, %select_n3A_343 : i32
    %select_n3A_354 = arith.select %and3A_352, %add3A_353, %rem3A_344 : i32
    %mul3A_355 = arith.constant 32768 : i32
    %mul3A_356 = arith.muli %select_n3A_354, %mul3A_355 : i32
    %jit3A_357 = arith.constant 4 : i32
    %div3A_358 = arith.divsi %add3A_338, %jit3A_357 : i32
    %sign3A_359 = arith.constant 0 : i32
    %sign3A_360 = arith.cmpi sgt, %add3A_338, %sign3A_359 : i32
    %sign3A_361 = arith.extui %sign3A_360 : i1 to i32
    %sign3A_362 = arith.constant 0 : i32
    %sign3A_363 = arith.cmpi slt, %add3A_338, %sign3A_362 : i32
    %sign3A_364 = arith.extui %sign3A_363 : i1 to i32
    %sign3A_365 = arith.subi %sign3A_361, %sign3A_364 : i32
    %sign3A_366 = arith.constant 0 : i32
    %sign3A_367 = arith.cmpi sgt, %jit3A_357, %sign3A_366 : i32
    %sign3A_368 = arith.extui %sign3A_367 : i1 to i32
    %sign3A_369 = arith.constant 0 : i32
    %sign3A_370 = arith.cmpi slt, %jit3A_357, %sign3A_369 : i32
    %sign3A_371 = arith.extui %sign3A_370 : i1 to i32
    %sign3A_372 = arith.subi %sign3A_368, %sign3A_371 : i32
    %ne3A_373 = arith.cmpi ne, %sign3A_365, %sign3A_372 : i32
    %rem3A_374 = arith.remsi %add3A_338, %jit3A_357 : i32
    %ne3A_375 = arith.constant 0 : i32
    %ne3A_376 = arith.cmpi ne, %rem3A_374, %ne3A_375 : i32
    %and3A_377 = arith.andi %ne3A_373, %ne3A_376 : i1
    %sub3A_378 = arith.constant 1 : i32
    %sub3A_379 = arith.subi %div3A_358, %sub3A_378 : i32
    %select_n3A_380 = arith.select %and3A_377, %sub3A_379, %div3A_358 : i32
    %mul3A_381 = arith.constant 512 : i32
    %mul3A_382 = arith.muli %select_n3A_380, %mul3A_381 : i32
    %add3A_383 = arith.addi %mul3A_356, %mul3A_382 : i32
    %dma_start3A_384 = arith.constant 2560 : i32
    %dma_start3A_385 = tpu.memref_slice %arg8[%dma_start3A_384] : memref<4096xf32, #tpu.memory_space<vmem>> -> memref<512xf32, #tpu.memory_space<vmem>>
    %dma_start3A_386 = tpu.memref_slice %arg4[%add3A_383] : memref<131072xf32, #tpu.memory_space<hbm>> -> memref<512xf32, #tpu.memory_space<hbm>>
    %dma_start3A_387 = tpu.memref_slice %arg4[%add3A_383] : memref<131072xf32, #tpu.memory_space<hbm>> -> memref<512xf32, #tpu.memory_space<hbm>>
    %dma_start3A_388 = arith.constant 2560 : i32
    %dma_start3A_389 = tpu.memref_slice %arg8[%dma_start3A_388] : memref<4096xf32, #tpu.memory_space<vmem>> -> memref<512xf32, #tpu.memory_space<vmem>>
    tpu.enqueue_dma source(%dma_start3A_389 : memref<512xf32, #tpu.memory_space<vmem>>) target(%dma_start3A_387 : memref<512xf32, #tpu.memory_space<hbm>>) target_semaphore(%arg10 : memref<!tpu.dma_semaphore, #tpu.memory_space<semaphore_mem>>)
    %mul3A_390 = arith.constant 8 : i32
    %mul3A_391 = arith.muli %add3A, %mul3A_390 : i32
    %add3A_392 = arith.constant 6 : i32
    %add3A_393 = arith.addi %mul3A_391, %add3A_392 : i32
    %jit3A_394 = arith.constant 4 : i32
    %eq3A_395 = arith.constant 0 : i32
    %eq3A_396 = arith.cmpi eq, %jit3A_394, %eq3A_395 : i32
    %jit3A_397 = arith.constant 1 : i32
    %select_n3A_398 = arith.select %eq3A_396, %jit3A_397, %jit3A_394 : i32
    %rem3A_399 = arith.remsi %add3A_393, %select_n3A_398 : i32
    %ne3A_400 = arith.constant 0 : i32
    %ne3A_401 = arith.cmpi ne, %rem3A_399, %ne3A_400 : i32
    %lt3A_402 = arith.constant 0 : i32
    %lt3A_403 = arith.cmpi slt, %rem3A_399, %lt3A_402 : i32
    %lt3A_404 = arith.constant 0 : i32
    %lt3A_405 = arith.cmpi slt, %select_n3A_398, %lt3A_404 : i32
    %ne3A_406 = arith.xori %lt3A_403, %lt3A_405 : i1
    %and3A_407 = arith.andi %ne3A_406, %ne3A_401 : i1
    %add3A_408 = arith.addi %rem3A_399, %select_n3A_398 : i32
    %select_n3A_409 = arith.select %and3A_407, %add3A_408, %rem3A_399 : i32
    %mul3A_410 = arith.constant 32768 : i32
    %mul3A_411 = arith.muli %select_n3A_409, %mul3A_410 : i32
    %jit3A_412 = arith.constant 4 : i32
    %div3A_413 = arith.divsi %add3A_393, %jit3A_412 : i32
    %sign3A_414 = arith.constant 0 : i32
    %sign3A_415 = arith.cmpi sgt, %add3A_393, %sign3A_414 : i32
    %sign3A_416 = arith.extui %sign3A_415 : i1 to i32
    %sign3A_417 = arith.constant 0 : i32
    %sign3A_418 = arith.cmpi slt, %add3A_393, %sign3A_417 : i32
    %sign3A_419 = arith.extui %sign3A_418 : i1 to i32
    %sign3A_420 = arith.subi %sign3A_416, %sign3A_419 : i32
    %sign3A_421 = arith.constant 0 : i32
    %sign3A_422 = arith.cmpi sgt, %jit3A_412, %sign3A_421 : i32
    %sign3A_423 = arith.extui %sign3A_422 : i1 to i32
    %sign3A_424 = arith.constant 0 : i32
    %sign3A_425 = arith.cmpi slt, %jit3A_412, %sign3A_424 : i32
    %sign3A_426 = arith.extui %sign3A_425 : i1 to i32
    %sign3A_427 = arith.subi %sign3A_423, %sign3A_426 : i32
    %ne3A_428 = arith.cmpi ne, %sign3A_420, %sign3A_427 : i32
    %rem3A_429 = arith.remsi %add3A_393, %jit3A_412 : i32
    %ne3A_430 = arith.constant 0 : i32
    %ne3A_431 = arith.cmpi ne, %rem3A_429, %ne3A_430 : i32
    %and3A_432 = arith.andi %ne3A_428, %ne3A_431 : i1
    %sub3A_433 = arith.constant 1 : i32
    %sub3A_434 = arith.subi %div3A_413, %sub3A_433 : i32
    %select_n3A_435 = arith.select %and3A_432, %sub3A_434, %div3A_413 : i32
    %mul3A_436 = arith.constant 512 : i32
    %mul3A_437 = arith.muli %select_n3A_435, %mul3A_436 : i32
    %add3A_438 = arith.addi %mul3A_411, %mul3A_437 : i32
    %dma_start3A_439 = arith.constant 3072 : i32
    %dma_start3A_440 = tpu.memref_slice %arg8[%dma_start3A_439] : memref<4096xf32, #tpu.memory_space<vmem>> -> memref<512xf32, #tpu.memory_space<vmem>>
    %dma_start3A_441 = tpu.memref_slice %arg4[%add3A_438] : memref<131072xf32, #tpu.memory_space<hbm>> -> memref<512xf32, #tpu.memory_space<hbm>>
    %dma_start3A_442 = tpu.memref_slice %arg4[%add3A_438] : memref<131072xf32, #tpu.memory_space<hbm>> -> memref<512xf32, #tpu.memory_space<hbm>>
    %dma_start3A_443 = arith.constant 3072 : i32
    %dma_start3A_444 = tpu.memref_slice %arg8[%dma_start3A_443] : memref<4096xf32, #tpu.memory_space<vmem>> -> memref<512xf32, #tpu.memory_space<vmem>>
    tpu.enqueue_dma source(%dma_start3A_444 : memref<512xf32, #tpu.memory_space<vmem>>) target(%dma_start3A_442 : memref<512xf32, #tpu.memory_space<hbm>>) target_semaphore(%arg10 : memref<!tpu.dma_semaphore, #tpu.memory_space<semaphore_mem>>)
    %mul3A_445 = arith.constant 8 : i32
    %mul3A_446 = arith.muli %add3A, %mul3A_445 : i32
    %add3A_447 = arith.constant 7 : i32
    %add3A_448 = arith.addi %mul3A_446, %add3A_447 : i32
    %jit3A_449 = arith.constant 4 : i32
    %eq3A_450 = arith.constant 0 : i32
    %eq3A_451 = arith.cmpi eq, %jit3A_449, %eq3A_450 : i32
    %jit3A_452 = arith.constant 1 : i32
    %select_n3A_453 = arith.select %eq3A_451, %jit3A_452, %jit3A_449 : i32
    %rem3A_454 = arith.remsi %add3A_448, %select_n3A_453 : i32
    %ne3A_455 = arith.constant 0 : i32
    %ne3A_456 = arith.cmpi ne, %rem3A_454, %ne3A_455 : i32
    %lt3A_457 = arith.constant 0 : i32
    %lt3A_458 = arith.cmpi slt, %rem3A_454, %lt3A_457 : i32
    %lt3A_459 = arith.constant 0 : i32
    %lt3A_460 = arith.cmpi slt, %select_n3A_453, %lt3A_459 : i32
    %ne3A_461 = arith.xori %lt3A_458, %lt3A_460 : i1
    %and3A_462 = arith.andi %ne3A_461, %ne3A_456 : i1
    %add3A_463 = arith.addi %rem3A_454, %select_n3A_453 : i32
    %select_n3A_464 = arith.select %and3A_462, %add3A_463, %rem3A_454 : i32
    %mul3A_465 = arith.constant 32768 : i32
    %mul3A_466 = arith.muli %select_n3A_464, %mul3A_465 : i32
    %jit3A_467 = arith.constant 4 : i32
    %div3A_468 = arith.divsi %add3A_448, %jit3A_467 : i32
    %sign3A_469 = arith.constant 0 : i32
    %sign3A_470 = arith.cmpi sgt, %add3A_448, %sign3A_469 : i32
    %sign3A_471 = arith.extui %sign3A_470 : i1 to i32
    %sign3A_472 = arith.constant 0 : i32
    %sign3A_473 = arith.cmpi slt, %add3A_448, %sign3A_472 : i32
    %sign3A_474 = arith.extui %sign3A_473 : i1 to i32
    %sign3A_475 = arith.subi %sign3A_471, %sign3A_474 : i32
    %sign3A_476 = arith.constant 0 : i32
    %sign3A_477 = arith.cmpi sgt, %jit3A_467, %sign3A_476 : i32
    %sign3A_478 = arith.extui %sign3A_477 : i1 to i32
    %sign3A_479 = arith.constant 0 : i32
    %sign3A_480 = arith.cmpi slt, %jit3A_467, %sign3A_479 : i32
    %sign3A_481 = arith.extui %sign3A_480 : i1 to i32
    %sign3A_482 = arith.subi %sign3A_478, %sign3A_481 : i32
    %ne3A_483 = arith.cmpi ne, %sign3A_475, %sign3A_482 : i32
    %rem3A_484 = arith.remsi %add3A_448, %jit3A_467 : i32
    %ne3A_485 = arith.constant 0 : i32
    %ne3A_486 = arith.cmpi ne, %rem3A_484, %ne3A_485 : i32
    %and3A_487 = arith.andi %ne3A_483, %ne3A_486 : i1
    %sub3A_488 = arith.constant 1 : i32
    %sub3A_489 = arith.subi %div3A_468, %sub3A_488 : i32
    %select_n3A_490 = arith.select %and3A_487, %sub3A_489, %div3A_468 : i32
    %mul3A_491 = arith.constant 512 : i32
    %mul3A_492 = arith.muli %select_n3A_490, %mul3A_491 : i32
    %add3A_493 = arith.addi %mul3A_466, %mul3A_492 : i32
    %dma_start3A_494 = arith.constant 3584 : i32
    %dma_start3A_495 = tpu.memref_slice %arg8[%dma_start3A_494] : memref<4096xf32, #tpu.memory_space<vmem>> -> memref<512xf32, #tpu.memory_space<vmem>>
    %dma_start3A_496 = tpu.memref_slice %arg4[%add3A_493] : memref<131072xf32, #tpu.memory_space<hbm>> -> memref<512xf32, #tpu.memory_space<hbm>>
    %dma_start3A_497 = tpu.memref_slice %arg4[%add3A_493] : memref<131072xf32, #tpu.memory_space<hbm>> -> memref<512xf32, #tpu.memory_space<hbm>>
    %dma_start3A_498 = arith.constant 3584 : i32
    %dma_start3A_499 = tpu.memref_slice %arg8[%dma_start3A_498] : memref<4096xf32, #tpu.memory_space<vmem>> -> memref<512xf32, #tpu.memory_space<vmem>>
    tpu.enqueue_dma source(%dma_start3A_499 : memref<512xf32, #tpu.memory_space<vmem>>) target(%dma_start3A_497 : memref<512xf32, #tpu.memory_space<hbm>>) target_semaphore(%arg10 : memref<!tpu.dma_semaphore, #tpu.memory_space<semaphore_mem>>)
    %dma_wait3A_500 = arith.constant 0 : i32
    %dma_wait3A_501 = tpu.memref_slice %arg8[%dma_wait3A_500] : memref<4096xf32, #tpu.memory_space<vmem>> -> memref<512xf32, #tpu.memory_space<vmem>>
    %dma_wait3A_502 = tpu.memref_slice %arg4[%add3A_108] : memref<131072xf32, #tpu.memory_space<hbm>> -> memref<512xf32, #tpu.memory_space<hbm>>
    %dma_wait3A_503 = tpu.memref_slice %arg4[%add3A_108] : memref<131072xf32, #tpu.memory_space<hbm>> -> memref<512xf32, #tpu.memory_space<hbm>>
    %dma_wait3A_504 = arith.constant 0 : i32
    %dma_wait3A_505 = tpu.memref_slice %arg8[%dma_wait3A_504] : memref<4096xf32, #tpu.memory_space<vmem>> -> memref<512xf32, #tpu.memory_space<vmem>>
    tpu.wait_dma2 semaphore(%arg10 : memref<!tpu.dma_semaphore, #tpu.memory_space<semaphore_mem>>) src(%dma_wait3A_505 : memref<512xf32, #tpu.memory_space<vmem>>) dst(%dma_wait3A_503 : memref<512xf32, #tpu.memory_space<hbm>>)
    %dma_wait3A_506 = arith.constant 512 : i32
    %dma_wait3A_507 = tpu.memref_slice %arg8[%dma_wait3A_506] : memref<4096xf32, #tpu.memory_space<vmem>> -> memref<512xf32, #tpu.memory_space<vmem>>
    %dma_wait3A_508 = tpu.memref_slice %arg4[%add3A_163] : memref<131072xf32, #tpu.memory_space<hbm>> -> memref<512xf32, #tpu.memory_space<hbm>>
    %dma_wait3A_509 = tpu.memref_slice %arg4[%add3A_163] : memref<131072xf32, #tpu.memory_space<hbm>> -> memref<512xf32, #tpu.memory_space<hbm>>
    %dma_wait3A_510 = arith.constant 512 : i32
    %dma_wait3A_511 = tpu.memref_slice %arg8[%dma_wait3A_510] : memref<4096xf32, #tpu.memory_space<vmem>> -> memref<512xf32, #tpu.memory_space<vmem>>
    tpu.wait_dma2 semaphore(%arg10 : memref<!tpu.dma_semaphore, #tpu.memory_space<semaphore_mem>>) src(%dma_wait3A_511 : memref<512xf32, #tpu.memory_space<vmem>>) dst(%dma_wait3A_509 : memref<512xf32, #tpu.memory_space<hbm>>)
    %dma_wait3A_512 = arith.constant 1024 : i32
    %dma_wait3A_513 = tpu.memref_slice %arg8[%dma_wait3A_512] : memref<4096xf32, #tpu.memory_space<vmem>> -> memref<512xf32, #tpu.memory_space<vmem>>
    %dma_wait3A_514 = tpu.memref_slice %arg4[%add3A_218] : memref<131072xf32, #tpu.memory_space<hbm>> -> memref<512xf32, #tpu.memory_space<hbm>>
    %dma_wait3A_515 = tpu.memref_slice %arg4[%add3A_218] : memref<131072xf32, #tpu.memory_space<hbm>> -> memref<512xf32, #tpu.memory_space<hbm>>
    %dma_wait3A_516 = arith.constant 1024 : i32
    %dma_wait3A_517 = tpu.memref_slice %arg8[%dma_wait3A_516] : memref<4096xf32, #tpu.memory_space<vmem>> -> memref<512xf32, #tpu.memory_space<vmem>>
    tpu.wait_dma2 semaphore(%arg10 : memref<!tpu.dma_semaphore, #tpu.memory_space<semaphore_mem>>) src(%dma_wait3A_517 : memref<512xf32, #tpu.memory_space<vmem>>) dst(%dma_wait3A_515 : memref<512xf32, #tpu.memory_space<hbm>>)
    %dma_wait3A_518 = arith.constant 1536 : i32
    %dma_wait3A_519 = tpu.memref_slice %arg8[%dma_wait3A_518] : memref<4096xf32, #tpu.memory_space<vmem>> -> memref<512xf32, #tpu.memory_space<vmem>>
    %dma_wait3A_520 = tpu.memref_slice %arg4[%add3A_273] : memref<131072xf32, #tpu.memory_space<hbm>> -> memref<512xf32, #tpu.memory_space<hbm>>
    %dma_wait3A_521 = tpu.memref_slice %arg4[%add3A_273] : memref<131072xf32, #tpu.memory_space<hbm>> -> memref<512xf32, #tpu.memory_space<hbm>>
    %dma_wait3A_522 = arith.constant 1536 : i32
    %dma_wait3A_523 = tpu.memref_slice %arg8[%dma_wait3A_522] : memref<4096xf32, #tpu.memory_space<vmem>> -> memref<512xf32, #tpu.memory_space<vmem>>
    tpu.wait_dma2 semaphore(%arg10 : memref<!tpu.dma_semaphore, #tpu.memory_space<semaphore_mem>>) src(%dma_wait3A_523 : memref<512xf32, #tpu.memory_space<vmem>>) dst(%dma_wait3A_521 : memref<512xf32, #tpu.memory_space<hbm>>)
    %dma_wait3A_524 = arith.constant 2048 : i32
    %dma_wait3A_525 = tpu.memref_slice %arg8[%dma_wait3A_524] : memref<4096xf32, #tpu.memory_space<vmem>> -> memref<512xf32, #tpu.memory_space<vmem>>
    %dma_wait3A_526 = tpu.memref_slice %arg4[%add3A_328] : memref<131072xf32, #tpu.memory_space<hbm>> -> memref<512xf32, #tpu.memory_space<hbm>>
    %dma_wait3A_527 = tpu.memref_slice %arg4[%add3A_328] : memref<131072xf32, #tpu.memory_space<hbm>> -> memref<512xf32, #tpu.memory_space<hbm>>
    %dma_wait3A_528 = arith.constant 2048 : i32
    %dma_wait3A_529 = tpu.memref_slice %arg8[%dma_wait3A_528] : memref<4096xf32, #tpu.memory_space<vmem>> -> memref<512xf32, #tpu.memory_space<vmem>>
    tpu.wait_dma2 semaphore(%arg10 : memref<!tpu.dma_semaphore, #tpu.memory_space<semaphore_mem>>) src(%dma_wait3A_529 : memref<512xf32, #tpu.memory_space<vmem>>) dst(%dma_wait3A_527 : memref<512xf32, #tpu.memory_space<hbm>>)
    %dma_wait3A_530 = arith.constant 2560 : i32
    %dma_wait3A_531 = tpu.memref_slice %arg8[%dma_wait3A_530] : memref<4096xf32, #tpu.memory_space<vmem>> -> memref<512xf32, #tpu.memory_space<vmem>>
    %dma_wait3A_532 = tpu.memref_slice %arg4[%add3A_383] : memref<131072xf32, #tpu.memory_space<hbm>> -> memref<512xf32, #tpu.memory_space<hbm>>
    %dma_wait3A_533 = tpu.memref_slice %arg4[%add3A_383] : memref<131072xf32, #tpu.memory_space<hbm>> -> memref<512xf32, #tpu.memory_space<hbm>>
    %dma_wait3A_534 = arith.constant 2560 : i32
    %dma_wait3A_535 = tpu.memref_slice %arg8[%dma_wait3A_534] : memref<4096xf32, #tpu.memory_space<vmem>> -> memref<512xf32, #tpu.memory_space<vmem>>
    tpu.wait_dma2 semaphore(%arg10 : memref<!tpu.dma_semaphore, #tpu.memory_space<semaphore_mem>>) src(%dma_wait3A_535 : memref<512xf32, #tpu.memory_space<vmem>>) dst(%dma_wait3A_533 : memref<512xf32, #tpu.memory_space<hbm>>)
    %dma_wait3A_536 = arith.constant 3072 : i32
    %dma_wait3A_537 = tpu.memref_slice %arg8[%dma_wait3A_536] : memref<4096xf32, #tpu.memory_space<vmem>> -> memref<512xf32, #tpu.memory_space<vmem>>
    %dma_wait3A_538 = tpu.memref_slice %arg4[%add3A_438] : memref<131072xf32, #tpu.memory_space<hbm>> -> memref<512xf32, #tpu.memory_space<hbm>>
    %dma_wait3A_539 = tpu.memref_slice %arg4[%add3A_438] : memref<131072xf32, #tpu.memory_space<hbm>> -> memref<512xf32, #tpu.memory_space<hbm>>
    %dma_wait3A_540 = arith.constant 3072 : i32
    %dma_wait3A_541 = tpu.memref_slice %arg8[%dma_wait3A_540] : memref<4096xf32, #tpu.memory_space<vmem>> -> memref<512xf32, #tpu.memory_space<vmem>>
    tpu.wait_dma2 semaphore(%arg10 : memref<!tpu.dma_semaphore, #tpu.memory_space<semaphore_mem>>) src(%dma_wait3A_541 : memref<512xf32, #tpu.memory_space<vmem>>) dst(%dma_wait3A_539 : memref<512xf32, #tpu.memory_space<hbm>>)
    %dma_wait3A_542 = arith.constant 3584 : i32
    %dma_wait3A_543 = tpu.memref_slice %arg8[%dma_wait3A_542] : memref<4096xf32, #tpu.memory_space<vmem>> -> memref<512xf32, #tpu.memory_space<vmem>>
    %dma_wait3A_544 = tpu.memref_slice %arg4[%add3A_493] : memref<131072xf32, #tpu.memory_space<hbm>> -> memref<512xf32, #tpu.memory_space<hbm>>
    %dma_wait3A_545 = tpu.memref_slice %arg4[%add3A_493] : memref<131072xf32, #tpu.memory_space<hbm>> -> memref<512xf32, #tpu.memory_space<hbm>>
    %dma_wait3A_546 = arith.constant 3584 : i32
    %dma_wait3A_547 = tpu.memref_slice %arg8[%dma_wait3A_546] : memref<4096xf32, #tpu.memory_space<vmem>> -> memref<512xf32, #tpu.memory_space<vmem>>
    tpu.wait_dma2 semaphore(%arg10 : memref<!tpu.dma_semaphore, #tpu.memory_space<semaphore_mem>>) src(%dma_wait3A_547 : memref<512xf32, #tpu.memory_space<vmem>>) dst(%dma_wait3A_545 : memref<512xf32, #tpu.memory_space<hbm>>)
    return
  }
}

</mosaic_0001>

<sc_bundles>
// kernel: _emb.3.cloned.1.call-start
scs
__scs_entry_jumppad:
0x0: {  	(pc) =	sbr.rel $0x88, $3  }
0x1: {  	(tag) =	ssettag $0x0;
	lr =	simm.s32 $0x1  }
0x2: {  	[smem:$0x3F9F] =	sst lr;
	_ =	strace $0xD0000000  }
0x3: {  	_ = 	snop  }
0x4: {  	_ = 	snop  }
0x5: {  	_ = 	snop  }
0x6: {  	_ = 	snop  }
0x7: {  	_ = 	snop  }
__scs_overlays_trampoline_lowered:
0x8: {  	[smem:$0x3FAE] =	sst s0  }
0x9: {  	[smem:$0x3FAF] =	sst s1  }
0xa: {  	[smem:$0x3FB0] =	sst s2  }
0xb: {  	[smem:$0x3FB1] =	sst s3  }
0xc: {  	[smem:$0x3FB2] =	sst s4  }
0xd: {  	[smem:$0x3FB3] =	sst s5  }
0xe: {  	[smem:$0x3FB4] =	sst s6  }
0xf: {  	[smem:$0x3FB5] =	sst s7  }
0x10: {  	[smem:$0x3FB6] =	sst s8  }
0x11: {  	[smem:$0x3FB7] =	sst s9;
	s0 =	simm.s32 @!p0 $0x0  }
0x12: {  	s1 =	sld [smem:$0x3F9D];
	s0 =	simm.s32 @p0 $0x1  }
0x13: {  	[smem:$0x3FB8] =	sst s0;
	s0 =	simm.s32 @!p1 $0x0  }
0x14: {  	s2 =	sld [smem:$0x3F9C];
	s0 =	simm.s32 @p1 $0x1  }
0x15: {  	[smem:$0x3FB9] =	sst s0;
	s0 =	simm.s32 @!p2 $0x0  }
0x16: {  	s3 =	sld [smem:$0x3FDB];
	s0 =	simm.s32 @p2 $0x1  }
0x17: {  	s4 =	simm.s32 $0x1BF5;
	[smem:$0x3FBB] =	sst s0  }
0x18: {  	s0 =	sld [smem:$0x3F9E];
	_ =	swait.ge [sflag:s4], $0x0  }
0x19: {  	s7 =	sld [smem:$0x3F9F]  }
0x1a: {  	s8 =	sadd.s32 $0xFFFFE003, lr  }
0x1b: {  	s9 =	sadd.s32 $0xFFFFFEF7, lr;
	s5 =	simm.s32 $0xFFFFFFFF;
	p2 =	slt.u32 s8, $0xFFFFF086  }
0x1c: {  	p1 =	slt.u32 s9, $0xF7A;
	s5 =	simm.s32 @!p2 $0x0  }
0x1d: {  	s5 =	simm.s32 @p1 $0x1;
	p0 =	seq.s32 s7, s2  }
0x1e: {  	s7 =	smul.u32 @!p0 $0xF7A, s2;
	p2 =	seq.s32 @!p0 s5, $0x0  }
0x1f: {  	s9 =	smul.u32 $0xF7A, s1;
	s8 =	simm.s32 @!p0 $0x1BF5;
	p2 =	por !p2, p0  }
0x20: {  	[sflag:s8] =	ssyncset.s32 @!p0 $0xFFFFF086;
	s6 =	sadd.s32 @!p0 s3, s7;
	s7 =	simm.s32 @!p0 $0x108  }
0x21: {  	s3 =	sadd.s32 s3, s9;
	s6 =	sadd.s32 @!p0 $0x88, s6;
	s7 =	simm.s32 @p2 $0x1082  }
0x22: {  	[simem:s7], [sflag:s8] =	dma.local @!p0 [hbm:s6], $0xF7A  }
0x23: {  	s9 =	sor.u32 $0xD0000000, s2;
	s6 =	simm.s32 $0x108;
	_ =	swait.ge @!p0 [sflag:s8], $0x0  }
0x24: {  	s3 =	sadd.s32 $0x88, s3;
	s6 =	simm.s32 @!p1 $0x1082;
	[sflag:s4] =	ssyncset.s32 $0xFFFFF086  }
0x25: {  	[simem:s6], [sflag:s4] =	dma.local [hbm:s3], $0xF7A  }
0x26: {  	[smem:$0x3F9F] =	sst s1;
	(tag) =	ssettag s2;
	_ =	strace s9  }
0x27: {  	s1 =	sld [smem:$0x3FAF]  }
0x28: {  	s2 =	sld [smem:$0x3FB0]  }
0x29: {  	s4 =	sld [smem:$0x3FB2]  }
0x2a: {  	p0 =	seq.s32 s5, $0x0;
	s5 =	sld [smem:$0x3FB3]  }
0x2b: {  	s6 =	sld [smem:$0x3FB4]  }
0x2c: {  	s7 =	sld [smem:$0x3FB5]  }
0x2d: {  	s3 =	simm.s32 $0x108;
	s8 =	sld [smem:$0x3FB6]  }
0x2e: {  	s3 =	simm.s32 @!p0 $0x1082;
	s9 =	sld [smem:$0x3FB7]  }
0x2f: {  	lr =	sadd.s32 s0, s3;
	s0 =	sld [smem:$0x3FAE]  }
0x30: {  	s3 =	sld [smem:$0x3FB1]  }
0x31: {  	[smem:$0x3FBA] =	sst s10  }
0x32: {  	s10 =	sld [smem:$0x3FB8];
	_ =	sdelay $0x3  }
0x33: {  	p0 =	seq.s32 s10, $0x1;
	s10 =	sld [smem:$0x3FBA];
	_ =	sdelay $0x3  }
0x34: {  	[smem:$0x3FBA] =	sst s10  }
0x35: {  	s10 =	sld [smem:$0x3FB9];
	_ =	sdelay $0x3  }
0x36: {  	p1 =	seq.s32 s10, $0x1;
	s10 =	sld [smem:$0x3FBA];
	_ =	sdelay $0x3  }
0x37: {  	[smem:$0x3FBA] =	sst s10  }
0x38: {  	s10 =	sld [smem:$0x3FBB]  }
0x39: {  	_ = 	snop;
	(pc) =	sbr.ind lr, $3  }
0x3a: {  	_ = 	snop  }
0x3b: {  	_ = 	snop  }
0x3c: {  	p2 =	seq.s32 s10, $0x1;
	s10 =	sld [smem:$0x3FBA]  }
0x3d: {  	_ =	shalt  }
0x3e: {  	_ =	shalt  }
0x3f: {  	_ =	shalt  }
0x40: {  	_ =	shalt  }
0x41: {  	_ =	shalt  }
0x42: {  	_ =	shalt  }
0x43: {  	_ =	shalt  }
0x44: {  	_ =	shalt  }
0x45: {  	_ =	shalt  }
0x46: {  	_ =	shalt  }
0x47: {  	_ =	shalt  }
0x48: {  	_ =	shalt  }
0x49: {  	_ =	shalt  }
0x4a: {  	_ =	shalt  }
0x4b: {  	_ =	shalt  }
0x4c: {  	_ =	shalt  }
0x4d: {  	_ =	shalt  }
0x4e: {  	_ =	shalt  }
0x4f: {  	_ =	shalt  }
0x50: {  	_ =	shalt  }
0x51: {  	_ =	shalt  }
0x52: {  	_ =	shalt  }
0x53: {  	_ =	shalt  }
0x54: {  	_ =	shalt  }
0x55: {  	_ =	shalt  }
0x56: {  	_ =	shalt  }
0x57: {  	_ =	shalt  }
0x58: {  	_ =	shalt  }
0x59: {  	_ =	shalt  }
0x5a: {  	_ =	shalt  }
0x5b: {  	_ =	shalt  }
0x5c: {  	_ =	shalt  }
0x5d: {  	_ =	shalt  }
0x5e: {  	_ =	shalt  }
0x5f: {  	_ =	shalt  }
0x60: {  	_ =	shalt  }
0x61: {  	_ =	shalt  }
0x62: {  	_ =	shalt  }
0x63: {  	_ =	shalt  }
0x64: {  	_ =	shalt  }
0x65: {  	_ =	shalt  }
0x66: {  	_ =	shalt  }
0x67: {  	_ =	shalt  }
0x68: {  	_ =	shalt  }
0x69: {  	_ =	shalt  }
0x6a: {  	_ =	shalt  }
0x6b: {  	_ =	shalt  }
0x6c: {  	_ =	shalt  }
0x6d: {  	_ =	shalt  }
0x6e: {  	_ =	shalt  }
0x6f: {  	_ =	shalt  }
0x70: {  	_ =	shalt  }
0x71: {  	_ =	shalt  }
0x72: {  	_ =	shalt  }
0x73: {  	_ =	shalt  }
0x74: {  	_ =	shalt  }
0x75: {  	_ =	shalt  }
0x76: {  	_ =	shalt  }
0x77: {  	_ =	shalt  }
0x78: {  	_ =	shalt  }
0x79: {  	_ =	shalt  }
0x7a: {  	_ =	shalt  }
0x7b: {  	_ =	shalt  }
0x7c: {  	_ =	shalt  }
0x7d: {  	_ =	shalt  }
0x7e: {  	_ =	shalt  }
0x7f: {  	_ =	shalt  }
0x80: {  	_ =	shalt  }
0x81: {  	_ =	shalt  }
0x82: {  	_ =	shalt  }
0x83: {  	_ =	shalt  }
0x84: {  	_ =	shalt  }
0x85: {  	_ =	shalt  }
0x86: {  	_ =	shalt  }
0x87: {  	_ =	shalt  }
.Lfunc_end0:
.L_simem_size_0:
called_computation_lowered:
.L_overlay_start_0:
0x88: {  	s2 =	sld [smem:$0x3FD9]  }
0x89: {  	s3 =	sld [smem:$0x3FFE];
	_ =	sdelay $0x1  }
0x8a: {  	s1 =	srdreg.scid  }
0x8b: {  	s0 =	sand.u32 $0x1, s1  }
0x8c: {  	s17 =	sshll.u32 s0, $0xA;
	s2 =	sadd.s32 s3, s2  }
0x8d: {  	s2 =	sadd.s32 s2, s17  }
0x8e: {  	[smem:$0x3FC6] =	sst s2  }
0x8f: {  	_ = 	snop  }
0x90: {  	s2 =	sld [smem:$0x3FC9]  }
0x91: {  	s18 =	sld [smem:$0x3FD0];
	(tm) =	ssettm $0x1  }
0x92: {  	s4 =	sld [smem:$0x3FFB];
	_ =	sdelay $0x3  }
0x93: {  	_ =	strace s4  }
0x94: {  	s4 =	sld [smem:$0x3FFC];
	_ =	sdelay $0x3  }
0x95: {  	_ =	strace s4  }
0x96: {  	s4 =	sld [smem:$0x3FFD];
	_ =	sdelay $0x3  }
0x97: {  	_ =	strace s4  }
0x98: {  	_ =	strace $0x8FFFFFFF  }
0x99: {  	s19 =	sld [smem:$0x3FDB];
	_ =	sdelay $0x1  }
0x9a: {  	s5 =	simm.s32 $_scs_section_size  }
0x9b: {  	s6 =	simm.s32 $_size__tile_overlayer_lowered;
	s7 =	simm.s32 $_tile_overlayer_lowered  }
0x9c: {  	s22 =	simm.s32 $0x1BFF;
	s21 =	sshll.u32 s7, $0x1;
	s4 =	sadd.s32 s5, s19  }
0x9d: {  	s8 =	simm.s32 $0x0;
	s20 =	sshll.u32 s6, $0x1;
	s6 =	sadd.s32 s21, s4  }
0x9e: {  	[timem:s8], [sflag:s22] =	dma.local [hbm:s6], s20  }
0x9f: {  	_ =	swait.ge [sflag:s22], s20  }
0xa0: {  	s5 =	ssub.s32 $0x0, s20;
	[sflag:s22] =	ssyncset.done $0x0  }
0xa1: {  	[sflag:s22] =	ssyncadd.s32 s5;
	_ =	sdelay $0x1  }
0xa2: {  	s23 =	simm.s32 $0x1B8B  }
0xa3: {  	_ =	swait.ge [sflag:s23], $0x1  }
0xa4: {  	[sflag:s23] =	ssyncset.done $0x0  }
0xa5: {  	s25 =	simm.s32 $0x1B8E;
	s24 =	sld [smem:$0x3FFE];
	[sflag:s23] =	ssyncadd.s32 $0xFFFFFFFF  }
0xa6: {  	s26 =	simm.s32 $execute0_lowered;
	[smem:$0x3FD2] =	sst s25  }
0xa7: {  	s6 =	sshll.u32 s26, $0x1;
	_ =	strace $0x80000046;
	[dreg:$0x1] =	wrdreg $0xFFFFFFFF  }
0xa8: {  	s28 =	simm.s32 $_size_execute0_lowered;
	s4 =	sadd.s32 s4, s6;
	[dreg:$0x0] =	wrdreg $0x0  }
0xa9: {  	s6 =	sshll.u32 s28, $0x1;
	[dreg:$0x2] =	wrdreg s4  }
0xaa: {  	[dreg:$0x3] =	wrdreg s6  }
0xab: {  	[dreg:$0x4] =	wrdreg $0xC0  }
0xac: {  	_ =	task [dreg:s8], $0x5FFFF  }
0xad: {  	[dreg:$0x1] =	wrdreg $0xFFFFFFFF  }
0xae: {  	[dreg:$0x0] =	wrdreg $0x60  }
0xaf: {  	[dreg:$0x2] =	wrdreg s2  }
0xb0: {  	[dreg:$0x3] =	wrdreg s24  }
0xb1: {  	[dreg:$0x4] =	wrdreg s18  }
0xb2: {  	[dreg:$0x5] =	wrdreg $0x9  }
0xb3: {  	_ =	task.clear_ibuf [dreg:s8], $0x6FFFF;
	_ =	strace $0x90000046  }
0xb4: {  	s29 =	simm.s32 $0x9;
	_ =	strace $0x80000048  }
0xb5: {  	_ =	swait.ge [sflag:s29], $0x1  }
0xb6: {  	[sflag:s29] =	ssyncadd.s32 $0xFFFFFFFF  }
0xb7: {  	_ =	strace $0x90000048  }
0xb8: {  	_ =	sfence  }
0xb9: {  	s30 =	sld [smem:$0x0];
	_ =	sdelay $0x2  }
0xba: {  	s31 =	sshll.u32 s1, $0xD;
	s1 =	sshrl.u32 s1, $0x2  }
0xbb: {  	s3 =	sand.u32 $0x4000, s31;
	s1 =	sadd.s32 s1, s30  }
0xbc: {  	s0 =	sor.u32 s3, s0;
	s1 =	sshll.u32 s1, $0x11  }
0xbd: {  	s0 =	sor.u32 s1, s0  }
0xbe: {  	s0 =	sadd.s32 $0x8F2B, s0  }
0xbf: {  	[sflag:s0] =	ssyncadd.remote.s32 $0x1  }
0xc0: {  	_ =	sfence.sel $0xFFFF  }
0xc1: {  	[dreg:$0x0] =	wrdreg $0xFFFFFFFF;
	(pc) =	sbr.abs _section_cstart, $3  }
0xc2: {  	[dreg:$0x1] =	wrdreg $0xFFFFFFFF  }
0xc3: {  	_ =	task.clear_ibuf [dreg:s8], $0x2FFFF;
	_ =	strace $0x9FFFFFFF  }
0xc4: {  	(tm) =	ssettm $0x7FFFFFFF  }
0xc5: {  	_ =	shalt  }
tec
execute0_lowered:
.L_overlay_start_1:
0x0: {  	(tag) =	ssettag $0x1  }
0x1: {  	v0 =	vimm.s32 $0x3210  }
0x2: {  	v1 =	vimm.s32 $0x383;
	vm0 =	vcmask $0x300;
	vm13 =	vcmask $0x704  }
0x3: {  	vm1 =	vcmask $0xF00;
	vm14 =	vcmask $0xB08;
	v1 =	vsel vm0, $0x200, v1  }
0x4: {  	v2 =	vimm.s32 $0x83828180;
	vm15 =	vcmask $0xF0C;
	v1 =	vsel vm13, $0x201, v1  }
0x5: {  	vm4 =	vcmask $0x1310;
	v0 =	vunpack.c.l.s4.s8 v0;
	v1 =	vsel vm14, $0x202, v1  }
0x6: {  	s0 =	rddreg [dreg:$0x0];
	vm5 =	vcmask $0x1714;
	vm6 =	vcmask $0x1B18;
	v1 =	vsel vm15, $0x203, v1  }
0x7: {  	s2 =	rddreg [dreg:$0x1];
	v2 =	vunpack.c.0.s8.s32 v2;
	v0 =	vunpack.c.0.s8.s32 v0;
	v1 =	vsel vm4, $0x280, v1  }
0x8: {  	s5 =	rddreg [dreg:$0x2];
	s1 =	simm.s32 $0x0;
	vm7 =	vcmask $0x1F10;
	vm8 =	vcmask $0x1F1C;
	v1 =	vsel vm5, $0x281, v1  }
0x9: {  	s3 =	srdreg.scid;
	s6 =	stileid.u32;
	s15 =	simm.s32 $0x1;
	v2 =	vand.u32 $0xFF, v2;
	v0 =	vnsel vm1, $0x183, v0;
	v1 =	vsel vm6, $0x282, v1  }
0xa: {  	vm9 =	vcmask $0x2320;
	s16 =	simm.s32 $0x400;
	s24 =	simm.s32 $0x1680;
	s25 =	simm.s32 $0x2;
	v0 =	vsel vm7, v2, v0;
	v1 =	vsel vm8, $0x283, v1  }
0xb: {  	vm10 =	vcmask $0x2724;
	s26 =	simm.s32 $0x0;
	[smem:$0x7FF] =	sst s1;
	s3 =	sand.u32 $0x1, s3;
	v0 =	vsel vm9, $0x100, v0;
	v1 =	vsel vm9, $0x300, v1  }
0xc: {  	vm11 =	vcmask $0x2B28;
	s6 =	sshll.u32 s6, $0x8;
	s4 =	ssub.s32 $0x2, s3;
	s7 =	sshll.u32 s3, $0x7;
	v0 =	vsel vm10, $0x101, v0;
	v1 =	vsel vm10, $0x301, v1  }
0xd: {  	vm12 =	vcmask $0x2F2C;
	_ =	strace $0x80000047;
	s31 =	sshrl.u32 s4, $0x1;
	s6 =	sor.u32 s7, s6;
	v0 =	vsel vm11, $0x102, v0;
	v1 =	vsel vm11, $0x302, v1  }
0xe: {  	s3 =	sadd.s32 $0x400, s2;
	vm13 =	vcmask $0x3330;
	s2 =	ssub.s32 s4, s31;
	s5 =	sadd.s32 s5, s6;
	v0 =	vsel vm12, $0x103, v0;
	v1 =	vsel vm12, $0x303, v1  }
0xf: {  	vm14 =	vcmask $0x3734;
	s4 =	sadd.s32 s0, s6;
	s6 =	sadd.s32 $0x1000, s5;
	s7 =	sadd.s32 $0x2000, s5;
	v0 =	vsel vm13, $0x180, v0;
	v1 =	vsel vm13, $0x380, v1  }
0x10: {  	vm15 =	vcmask $0x3B38;
	s8 =	sadd.s32 $0x3000, s5;
	s9 =	sadd.s32 $0x40, s5;
	s10 =	sadd.s32 $0x1040, s5;
	v0 =	vsel vm14, $0x181, v0;
	v1 =	vsel vm14, $0x381, v1  }
0x11: {  	s11 =	sadd.s32 $0x2040, s5;
	s12 =	sadd.s32 $0x3040, s5;
	s13 =	smax.u32 s2, $0x1;
	v0 =	vsel vm15, $0x182, v0;
	v1 =	vsel vm15, $0x382, v1  }
.LBB2_1:
0x12: {  	[tilespmem:s1], [sflag:$0x1] =	stream.linear.gather [hbm4b:s3+s1], $0x400, $0x38;
	[tilespmem:$0x1880] =	vst v63  }
0x13: {  	s0 =	simm.s32 $0x480  }
0x14: {  	[tilespmem:s0], [sflag:$0x1] =	stream.linear.gather [hbm4b:s4+s1], $0x400, $0x38;
	[tilespmem:$0x1880] =	vst v63  }
0x15: {  	_ =	swait.ge [sflag:s15], $0x400  }
0x16: {  	[sflag:s15] =	ssyncset.done $0x0  }
0x17: {  	[sflag:s15] =	ssyncadd.s32 $0xFFFFFC00  }
0x18: {  	_ =	swait.ge [sflag:s15], $0x400  }
0x19: {  	[sflag:s15] =	ssyncset.done $0x0  }
0x1a: {  	[sflag:s15] =	ssyncadd.s32 $0xFFFFFC00  }
0x1b: {  	v2 =	vld.idx.msk [tilespmem:v0+s1+$0x0], $0xffff;
	_ =	sdelay $0x4  }
0x1c: {  	[tilespmem:$0x400] =	vst v2  }
0x1d: {  	v2 =	vld.idx.msk [tilespmem:v1+s1+$0x0], $0xffff;
	_ =	sdelay $0x4  }
0x1e: {  	s19 =	simm.s32 $0x0;
	[tilespmem:$0x410] =	vst v2  }
0x1f: {  	v2 =	vld [tilespmem:s19+$0x4B0]  }
0x20: {  	v4 =	vld [tilespmem:s19+$0x490]  }
0x21: {  	v3 =	vld [tilespmem:s19+$0x480];
	_ =	sdelay $0x2  }
0x22: {  	v6 =	vshll.u32 v2, $0x2  }
0x23: {  	v4 =	vshll.u32 v4, $0x2  }
0x24: {  	v3 =	vshll.u32 v3, $0x2  }
0x25: {  	s22 =	simm.s32 $0x40;
	v5 =	vld [tilespmem:s19+$0x4A0]  }
0x26: {  	v13 =	vld [tilespmem:s22+$0x480]  }
0x27: {  	v2 =	vld.idx.msk [tilespmem:v6+s16+$0x0], $0xffff  }
0x28: {  	v7 =	vor.u32 $0x1, v6;
	v10 =	vld.idx.msk [tilespmem:v4+s16+$0x0], $0xffff  }
0x29: {  	s20 =	simm.s32 $0x30;
	s2 =	sand.u32 $0xE00, s1;
	s17 =	simm.s32 $0x0;
	v8 =	vld.idx.msk [tilespmem:v3+s16+$0x0], $0xffff  }
0x2a: {  	s23 =	simm.s32 $0x10;
	s2 =	sadd.s32 $0x880, s2;
	s0 =	sand.u32 $0x70, s20;
	v5 =	vshll.u32 v5, $0x2  }
0x2b: {  	s21 =	sand.u32 $0x40, s17;
	s17 =	sand.u32 $0x50, s23;
	s14 =	sor.u32 s0, s2;
	v15 =	vld [tilespmem:s22+$0x490];
	v9 =	vor.u32 $0x1, v3  }
0x2c: {  	s30 =	sor.u32 s17, s2;
	v17 =	vld [tilespmem:s22+$0x4A0];
	[tilespmem:s14+$0x0] =	vst v2  }
0x2d: {  	s29 =	sor.u32 s21, s2;
	[tilespmem:s30+$0x0] =	vst v10;
	v10 =	vshll.u32 v13, $0x2;
	v2 =	vld.idx.msk [tilespmem:v7+s16+$0x0], $0xffff  }
0x2e: {  	[tilespmem:s29+$0x0] =	vst v8;
	v8 =	vld [tilespmem:s22+$0x4B0];
	v7 =	vor.u32 $0x2, v6  }
0x2f: {  	v12 =	vor.u32 $0x1, v4;
	v11 =	vld.idx.msk [tilespmem:v5+s16+$0x0], $0xffff  }
0x30: {  	v14 =	vor.u32 $0x1, v5;
	v9 =	vld.idx.msk [tilespmem:v9+s16+$0x0], $0xffff  }
0x31: {  	s18 =	simm.s32 $0x20;
	v16 =	vor.u32 $0x2, v3  }
0x32: {  	s19 =	sand.u32 $0x60, s18;
	v19 =	vshll.u32 v15, $0x2;
	v22 =	vld.idx.msk [tilespmem:v10+s16+$0x0], $0xffff;
	[tilespmem:s14+$0x80] =	vst v2  }
0x33: {  	s28 =	sor.u32 s19, s2;
	v2 =	vshll.u32 v8, $0x2;
	v7 =	vld.idx.msk [tilespmem:v7+s16+$0x0], $0xffff  }
0x34: {  	[tilespmem:s28+$0x0] =	vst v11;
	v6 =	vor.u32 $0x3, v6;
	v8 =	vld.idx.msk [tilespmem:v12+s16+$0x0], $0xffff  }
0x35: {  	s20 =	simm.s32 $0x100;
	v20 =	vshll.u32 v17, $0x2;
	[tilespmem:s29+$0x80] =	vst v9;
	v9 =	vld.idx.msk [tilespmem:v14+s16+$0x0], $0xffff  }
0x36: {  	s21 =	sand.u32 $0xE00, s20;
	s19 =	simm.s32 $0x40;
	v12 =	vor.u32 $0x2, v4;
	v11 =	vld.idx.msk [tilespmem:v16+s16+$0x0], $0xffff  }
0x37: {  	s17 =	sadd.s32 $0x880, s21;
	s19 =	sand.u32 $0x40, s19;
	v23 =	vor.u32 $0x3, v3;
	v14 =	vld.idx.msk [tilespmem:v19+s16+$0x0], $0xffff  }
0x38: {  	s18 =	sor.u32 s19, s17;
	v17 =	vld.idx.msk [tilespmem:v2+s16+$0x0], $0xffff;
	[tilespmem:s14+$0x100] =	vst v7;
	v7 =	vor.u32 $0x2, v5  }
0x39: {  	v18 =	vor.u32 $0x1, v2;
	[tilespmem:s18+$0x0] =	vst v22;
	v21 =	vld.idx.msk [tilespmem:v6+s16+$0x0], $0xffff  }
0x3a: {  	s0 =	simm.s32 $0x70;
	v13 =	vor.u32 $0x1, v10;
	v16 =	vld.idx.msk [tilespmem:v20+s16+$0x0], $0xffff;
	[tilespmem:s30+$0x80] =	vst v8  }
0x3b: {  	s20 =	simm.s32 $0x60;
	v3 =	vor.u32 $0x3, v4;
	s22 =	sand.u32 $0x70, s0;
	[tilespmem:s29+$0x100] =	vst v11;
	v15 =	vld.idx.msk [tilespmem:v12+s16+$0x0], $0xffff  }
0x3c: {  	s23 =	simm.s32 $0x50;
	s20 =	sand.u32 $0x60, s20;
	s31 =	sor.u32 s22, s17;
	[tilespmem:s28+$0x80] =	vst v9;
	v8 =	vor.u32 $0x2, v19;
	v9 =	vor.u32 $0x3, v19;
	v11 =	vor.u32 $0x1, v19;
	v19 =	vld.idx.msk [tilespmem:v23+s16+$0x0], $0xffff  }
0x3d: {  	s21 =	sand.u32 $0x50, s23;
	s20 =	sor.u32 s20, s17;
	v4 =	vor.u32 $0x3, v5;
	v5 =	vor.u32 $0x3, v10;
	v12 =	vor.u32 $0x1, v20;
	[tilespmem:s31+$0x0] =	vst v17;
	v17 =	vld.idx.msk [tilespmem:v7+s16+$0x0], $0xffff  }
0x3e: {  	s2 =	simm.s32 $0x4;
	s19 =	sor.u32 s21, s17;
	v6 =	vor.u32 $0x2, v10;
	v10 =	vor.u32 $0x2, v20;
	v18 =	vld.idx.msk [tilespmem:v18+s16+$0x0], $0xffff;
	v7 =	vor.u32 $0x3, v20;
	[tilespmem:s14+$0x180] =	vst v21;
	s14 =	simm.s32 $0x200  }
.LBB2_2:
0x3f: {  	s21 =	sshra.s32 s14, $0x2;
	s2 =	sadd.s32 $0x4, s2;
	v13 =	vld.idx.msk [tilespmem:v13+s16+$0x0], $0xffff;
	[tilespmem:s19+$0x0] =	vst v14;
	v14 =	vor.u32 $0x2, v2;
	s17 =	smov.u32 s19  }
0x40: {  	s19 =	smov.u32 s28;
	s28 =	smov.u32 s20;
	v20 =	vld [tilespmem:s21+$0x4B0];
	p0 =	slt.u32 s2, $0x3C;
	[tilespmem:s20+$0x0] =	vst v16  }
0x41: {  	v16 =	vld [tilespmem:s21+$0x480];
	[tilespmem:s30+$0x100] =	vst v15  }
0x42: {  	v15 =	vld [tilespmem:s21+$0x490];
	[tilespmem:s19+$0x100] =	vst v17  }
0x43: {  	v17 =	vld [tilespmem:s21+$0x4A0];
	[tilespmem:s31+$0x80] =	vst v18  }
0x44: {  	v14 =	vld.idx.msk [tilespmem:v14+s16+$0x0], $0xffff;
	[tilespmem:s29+$0x180] =	vst v19;
	s29 =	smov.u32 s18  }
0x45: {  	v18 =	vshll.u32 v20, $0x2;
	[tilespmem:s29+$0x80] =	vst v13;
	v19 =	vld.idx.msk [tilespmem:v11+s16+$0x0], $0xffff  }
0x46: {  	v21 =	vor.u32 $0x3, v2;
	v16 =	vshll.u32 v16, $0x2;
	v20 =	vld.idx.msk [tilespmem:v12+s16+$0x0], $0xffff;
	v2 =	vmov v18  }
0x47: {  	v13 =	vor.u32 $0x1, v16;
	v15 =	vshll.u32 v15, $0x2;
	v22 =	vld.idx.msk [tilespmem:v6+s16+$0x0], $0xffff;
	v6 =	vor.u32 $0x2, v16  }
0x48: {  	v11 =	vor.u32 $0x1, v15;
	v23 =	vor.u32 $0x2, v15;
	v17 =	vshll.u32 v17, $0x2;
	v24 =	vld.idx.msk [tilespmem:v3+s16+$0x0], $0xffff;
	v3 =	vmovc v9  }
0x49: {  	v25 =	vor.u32 $0x3, v16;
	v12 =	vor.u32 $0x1, v17;
	v26 =	vor.u32 $0x2, v17;
	v27 =	vld.idx.msk [tilespmem:v4+s16+$0x0], $0xffff;
	v4 =	vmovc v7  }
0x4a: {  	v9 =	vor.u32 $0x3, v15;
	v7 =	vor.u32 $0x3, v17;
	v18 =	vld.idx.msk [tilespmem:v18+s16+$0x0], $0xffff;
	[tilespmem:s31+$0x100] =	vst v14  }
0x4b: {  	[tilespmem:s17+$0x80] =	vst v19;
	v19 =	vld.idx.msk [tilespmem:v21+s16+$0x0], $0xffff  }
0x4c: {  	s0 =	sadd.s32 $0x40, s0;
	v28 =	vor.u32 $0x1, v2;
	v21 =	vld.idx.msk [tilespmem:v16+s16+$0x0], $0xffff;
	[tilespmem:s28+$0x80] =	vst v20  }
0x4d: {  	s20 =	sadd.s32 $0xFFFFFFD0, s0;
	s18 =	sand.u32 $0xE00, s14;
	v14 =	vld.idx.msk [tilespmem:v15+s16+$0x0], $0xffff;
	[tilespmem:s29+$0x100] =	vst v22  }
.Ltmp0:
0x4e: {  	s21 =	sadd.s32 $0x880, s18;
	s18 =	sand.u32 $0x70, s0;
	v16 =	vld.idx.msk [tilespmem:v17+s16+$0x0], $0xffff;
	[tilespmem:s30+$0x180] =	vst v24;
	(pc) =	sbr.rel @p0 .LBB2_2-.Ltmp0, $4  }
0x4f: {  	s22 =	sadd.s32 $0xFFFFFFF0, s0;
	s23 =	sor.u32 s18, s21;
	s30 =	sadd.s32 $0xFFFFFFE0, s0;
	v15 =	vld.idx.msk [tilespmem:v8+s16+$0x0], $0xffff;
	[tilespmem:s19+$0x180] =	vst v27;
	v8 =	vmov v23  }
0x50: {  	s18 =	sand.u32 $0x40, s20;
	s20 =	sand.u32 $0x60, s22;
	s19 =	sand.u32 $0x50, s30;
	[tilespmem:s23+$0x0] =	vst v18;
	v17 =	vld.idx.msk [tilespmem:v10+s16+$0x0], $0xffff;
	v10 =	vmov v26  }
0x51: {  	s18 =	sor.u32 s18, s21;
	s20 =	sor.u32 s20, s21;
	s19 =	sor.u32 s19, s21;
	v18 =	vld.idx.msk [tilespmem:v28+s16+$0x0], $0xffff;
	[tilespmem:s31+$0x180] =	vst v19  }
0x52: {  	s14 =	sadd.s32 $0x100, s14;
	s30 =	smov.u32 s17;
	s31 =	smov.u32 s23;
	[tilespmem:s18+$0x0] =	vst v21;
	v19 =	vld.idx.msk [tilespmem:v5+s16+$0x0], $0xffff;
	v5 =	vmov v25  }
0x53: {  	_ =	sdelay $0x3  }
0x54: {  	v13 =	vld.idx.msk [tilespmem:v13+s16+$0x0], $0xffff;
	[tilespmem:s19+$0x0] =	vst v14;
	v62 =	vor.u32 $0x2, v2  }
0x55: {  	[tilespmem:s20+$0x0] =	vst v16;
	v11 =	vld.idx.msk [tilespmem:v11+s16+$0x0], $0xffff  }
0x56: {  	v12 =	vld.idx.msk [tilespmem:v12+s16+$0x0], $0xffff  }
0x57: {  	[tilespmem:s30+$0x100] =	vst v15  }
0x58: {  	[tilespmem:s31+$0x80] =	vst v18  }
0x59: {  	v14 =	vld.idx.msk [tilespmem:v62+s16+$0x0], $0xffff;
	[tilespmem:s18+$0x80] =	vst v13  }
0x5a: {  	v2 =	vor.u32 $0x3, v2;
	v6 =	vld.idx.msk [tilespmem:v6+s16+$0x0], $0xffff;
	[tilespmem:s19+$0x80] =	vst v11  }
0x5b: {  	[tilespmem:s20+$0x80] =	vst v12;
	v8 =	vld.idx.msk [tilespmem:v8+s16+$0x0], $0xffff  }
0x5c: {  	[tilespmem:s28+$0x100] =	vst v17;
	v10 =	vld.idx.msk [tilespmem:v10+s16+$0x0], $0xffff  }
0x5d: {  	v3 =	vld.idx.msk [tilespmem:v3+s16+$0x0], $0xffff;
	[tilespmem:s29+$0x180] =	vst v19  }
0x5e: {  	v4 =	vld.idx.msk [tilespmem:v4+s16+$0x0], $0xffff;
	[tilespmem:s31+$0x100] =	vst v14  }
0x5f: {  	v2 =	vld.idx.msk [tilespmem:v2+s16+$0x0], $0xffff;
	[tilespmem:s18+$0x100] =	vst v6  }
0x60: {  	v5 =	vld.idx.msk [tilespmem:v5+s16+$0x0], $0xffff;
	[tilespmem:s19+$0x100] =	vst v8  }
0x61: {  	[tilespmem:s20+$0x100] =	vst v10;
	v63 =	vld.idx.msk [tilespmem:v9+s16+$0x0], $0xffff  }
0x62: {  	[tilespmem:s30+$0x180] =	vst v3;
	v3 =	vld.idx.msk [tilespmem:v7+s16+$0x0], $0xffff  }
0x63: {  	[tilespmem:s28+$0x180] =	vst v4  }
0x64: {  	[tilespmem:s31+$0x180] =	vst v2  }
0x65: {  	[tilespmem:s18+$0x180] =	vst v5  }
0x66: {  	[tilespmem:s19+$0x180] =	vst v63  }
0x67: {  	s0 =	simm.s32 $0x880;
	[tilespmem:s20+$0x180] =	vst v3  }
0x68: {  	[hbm4b:s5+s1] =	stream.linear.scatter [tilespmem:s0], [sflag:$0x2], $0x200, $0x38;
	[tilespmem:$0x1880] =	vst v63  }
0x69: {  	s22 =	simm.s32 $0xA80  }
0x6a: {  	[hbm4b:s6+s1] =	stream.linear.scatter [tilespmem:s22], [sflag:$0x2], $0x200, $0x38;
	[tilespmem:$0x1880] =	vst v63  }
0x6b: {  	s23 =	simm.s32 $0xC80  }
0x6c: {  	[hbm4b:s7+s1] =	stream.linear.scatter [tilespmem:s23], [sflag:$0x2], $0x200, $0x38;
	[tilespmem:$0x1880] =	vst v63  }
0x6d: {  	s28 =	simm.s32 $0xE80  }
0x6e: {  	[hbm4b:s8+s1] =	stream.linear.scatter [tilespmem:s28], [sflag:$0x2], $0x200, $0x38;
	[tilespmem:$0x1880] =	vst v63  }
0x6f: {  	s29 =	simm.s32 $0x1080  }
0x70: {  	[hbm4b:s9+s1] =	stream.linear.scatter [tilespmem:s29], [sflag:$0x2], $0x200, $0x38;
	[tilespmem:$0x1880] =	vst v63  }
0x71: {  	s30 =	simm.s32 $0x1280  }
0x72: {  	[hbm4b:s10+s1] =	stream.linear.scatter [tilespmem:s30], [sflag:$0x2], $0x200, $0x38;
	[tilespmem:$0x1880] =	vst v63  }
0x73: {  	s31 =	simm.s32 $0x1480  }
0x74: {  	[hbm4b:s11+s1] =	stream.linear.scatter [tilespmem:s31], [sflag:$0x2], $0x200, $0x38;
	[tilespmem:$0x1880] =	vst v63  }
0x75: {  	_ = 	snop  }
0x76: {  	[hbm4b:s12+s1] =	stream.linear.scatter [tilespmem:s24], [sflag:$0x2], $0x200, $0x38;
	[tilespmem:$0x1880] =	vst v63  }
0x77: {  	_ =	swait.ge [sflag:s25], $0x200  }
0x78: {  	[sflag:s25] =	ssyncset.done $0x0  }
0x79: {  	[sflag:s25] =	ssyncadd.s32 $0xFFFFFE00  }
0x7a: {  	_ =	swait.ge [sflag:s25], $0x200  }
0x7b: {  	[sflag:s25] =	ssyncset.done $0x0  }
0x7c: {  	[sflag:s25] =	ssyncadd.s32 $0xFFFFFE00  }
0x7d: {  	_ =	swait.ge [sflag:s25], $0x200  }
0x7e: {  	[sflag:s25] =	ssyncset.done $0x0  }
0x7f: {  	[sflag:s25] =	ssyncadd.s32 $0xFFFFFE00  }
0x80: {  	_ =	swait.ge [sflag:s25], $0x200  }
0x81: {  	[sflag:s25] =	ssyncset.done $0x0  }
0x82: {  	[sflag:s25] =	ssyncadd.s32 $0xFFFFFE00  }
0x83: {  	_ =	swait.ge [sflag:s25], $0x200  }
0x84: {  	[sflag:s25] =	ssyncset.done $0x0  }
0x85: {  	[sflag:s25] =	ssyncadd.s32 $0xFFFFFE00  }
0x86: {  	_ =	swait.ge [sflag:s25], $0x200  }
0x87: {  	[sflag:s25] =	ssyncset.done $0x0  }
0x88: {  	s26 =	sadd.s32 $0x1, s26;
	[sflag:s25] =	ssyncadd.s32 $0xFFFFFE00  }
0x89: {  	p0 =	sne.s32 s26, s13;
	_ =	swait.ge [sflag:s25], $0x200  }
.Ltmp1:
0x8a: {  	[sflag:s25] =	ssyncset.done $0x0;
	(pc) =	sbr.rel @p0 .LBB2_1-.Ltmp1, $4  }
0x8b: {  	[sflag:s25] =	ssyncadd.s32 $0xFFFFFE00  }
0x8c: {  	_ =	swait.ge [sflag:s25], $0x200  }
0x8d: {  	[sflag:s25] =	ssyncset.done $0x0  }
0x8e: {  	[sflag:s25] =	ssyncadd.s32 $0xFFFFFE00  }
0x8f: {  	_ =	sfence.sel $0x180000  }
0x90: {  	[bflag:$0x0] =	sbarrier.arrive $0xFFFF  }
0x91: {  	_ =	strace $0x90000047  }
0x92: {  	s0 =	stileid.u32;
	[bflag:$0x2] =	sbarrier.arrive $0xFFFF  }
0x93: {  	p0 =	sne.s32 s0, $0x0;
	s0 =	rddreg [dreg:$0x3]  }
0x94: {  	s0 =	sadd.s32 @!p0 $0x100000, s0  }
0x95: {  	[sflag:s0] =	ssyncadd.tile.s32 @!p0 $0x1;
	_ =	shalt  }
.Lfunc_end2:
_tile_overlayer_lowered:
.L_overlay_start_2:
0x96: {  	(tag) =	ssettag $0x2  }
0x97: {  	s0 =	rddreg [dreg:$0x0];
	s2 =	stileid.u32  }
0x98: {  	s1 =	rddreg [dreg:$0x1];
	p0 =	sne.s32 s2, $0x0  }
0x99: {  	s3 =	rddreg [dreg:$0x2];
	[bflag:$0x3] =	sbarrier.arrive $0xFFFF;
	s2 =	simm.s32 @!p0 $0x1C03  }
0x9a: {  	[timem:s3], [sflag:s2] =	dma.local @!p0 [hbm:s0], s1  }
0x9b: {  	s0 =	simm.s32 @!p0 $0x3  }
0x9c: {  	_ =	swait.ge @!p0 [sflag:s0], s1  }
0x9d: {  	s1 =	ssub.s32 @!p0 $0x0, s1;
	[sflag:s0] =	ssyncset.done @!p0 $0x0  }
0x9e: {  	[sflag:s0] =	ssyncadd.s32 @!p0 s1  }
0x9f: {  	[bflag:$0x3] =	sbarrier.arrive $0xFFFF  }
0xa0: {  	_ =	shalt  }

</sc_bundles>
